<compile_context>
chip_gen: v7x
topology: tpu7x:2x2x1
jax: 0.10.2.dev20260603
libtpu: 0.0.44.dev20260713+nightly
codegen_flags: <defaults>
</compile_context>

<pallas_src>
import jax
import jax.numpy as jnp
from jax import lax
from jax.experimental import pallas as pl
from jax.experimental.pallas import tpu as pltpu
from jax.experimental.pallas import tpu_sc as plsc

NUM_CORES = 2
HIST_LEN = 200
ROWS_PER_WORKER = 8
NUM_MOVIE_WORKERS = HIST_LEN // ROWS_PER_WORKER
EMBED_DIM = 32
LANES = 128
OUT_LEN = (1 + HIST_LEN) * EMBED_DIM


def _extract_column(block, col, rowbuf, offset):
    for h in range(EMBED_DIM // 16):
        idx_d = lax.iota(jnp.int32, 16) + (h * 16)
        idx_c = jnp.zeros((16,), jnp.int32) + col
        vals = plsc.load_gather(block, [idx_d, idx_c])
        rowbuf[pl.ds(offset + h * 16, 16)] = vals


def _gather_body(user_idx, movie_idx, user_tabT, movie_tabT, out,
                 idx_v, blocks, rowbuf, sem):
    wid = lax.axis_index("s") * NUM_CORES + lax.axis_index("c")

    @pl.when(wid < NUM_MOVIE_WORKERS)
    def _():
        base = wid * ROWS_PER_WORKER
        pltpu.sync_copy(movie_idx.at[pl.ds(base, ROWS_PER_WORKER)],
                        idx_v.at[pl.ds(0, ROWS_PER_WORKER)])
        iv = idx_v[...]
        copies = []
        for j in range(ROWS_PER_WORKER):
            i = iv[j]
            t = pl.multiple_of((i // LANES) * LANES, LANES)
            copies.append(pltpu.async_copy(
                movie_tabT.at[:, pl.ds(t, LANES)], blocks.at[j], sem))
        for c in copies:
            c.wait()
        for j in range(ROWS_PER_WORKER):
            col = iv[j] % LANES
            _extract_column(blocks.at[j], col, rowbuf, j * EMBED_DIM)
        pltpu.sync_copy(
            rowbuf,
            out.at[pl.ds(EMBED_DIM + base * EMBED_DIM,
                         ROWS_PER_WORKER * EMBED_DIM)])

    @pl.when(wid == NUM_MOVIE_WORKERS)
    def _():
        pltpu.sync_copy(user_idx, idx_v.at[pl.ds(0, 1)])
        i = idx_v[...][0]
        t = pl.multiple_of((i // LANES) * LANES, LANES)
        pltpu.async_copy(
            user_tabT.at[:, pl.ds(t, LANES)], blocks.at[0], sem).wait()
        _extract_column(blocks.at[0], i % LANES, rowbuf, 0)
        pltpu.sync_copy(rowbuf.at[pl.ds(0, EMBED_DIM)],
                        out.at[pl.ds(0, EMBED_DIM)])


@jax.jit
def kernel(user, movie_history, user_table, movie_table):
    mesh = plsc.VectorSubcoreMesh(core_axis_name="c", subcore_axis_name="s")
    flat = pl.kernel(
        _gather_body,
        out_type=jax.ShapeDtypeStruct((OUT_LEN,), jnp.float32),
        mesh=mesh,
        scratch_types=[
            pltpu.VMEM((16,), jnp.int32),
            pltpu.VMEM((ROWS_PER_WORKER, EMBED_DIM, LANES), jnp.float32),
            pltpu.VMEM((ROWS_PER_WORKER * EMBED_DIM,), jnp.float32),
            pltpu.SemaphoreType.DMA,
        ],
        compiler_params=pltpu.CompilerParams(
            needs_layout_passes=False,
            disable_bounds_checks=True,
        ),
    )(user, movie_history, user_table.T, movie_table.T)
    return flat.reshape(1, OUT_LEN)

# --- scband reference (transcript-rebuilt; emitter-appended) ---
"""Pipeline reference for scband-embedding-6803228197502 (READ-ONLY COPY).

The authoritative reference and input builder live on the scoring server;
editing this copy changes nothing except your own understanding.
"""

import jax, jax.numpy as jnp
import numpy as np

NUM_USERS = 1000000
USER_EMBED_DIM = 32
NUM_MOVIES = 1000000
MOVIE_EMBED_DIM = 32
HIST_LEN = 200


def setup_inputs(seed: int = 0) -> dict:
    key = jax.random.key(seed)
    k1, k2, k3, k4 = jax.random.split(key, 4)
    user = jax.random.randint(k1, (1,), 0, NUM_USERS, dtype=jnp.int64 if jax.config.jax_enable_x64 else jnp.int32).astype(jnp.int32)
    movie_history = jax.random.randint(k2, (HIST_LEN,), 0, NUM_MOVIES).astype(jnp.int32)
    user_table = jax.random.normal(k3, (NUM_USERS, USER_EMBED_DIM), dtype=jnp.float32)
    movie_table = jax.random.normal(k4, (NUM_MOVIES, MOVIE_EMBED_DIM), dtype=jnp.float32)
    return {
        "user": user,
        "movie_history": movie_history,
        "user_table": user_table,
        "movie_table": movie_table,
    }


def reference(user, movie_history, user_table, movie_table):
    # user_embed = self.user_embedding(user) -> [1, user_embed_dim]
    user_embed = jnp.take(user_table, user, axis=0)
    # movie_embed = self.movie_embedding(movie_history) -> [hist_len, movie_embed_dim]
    movie_embed = jnp.take(movie_table, movie_history, axis=0)
    # torch.flatten(movie_embed).unsqueeze(0) -> [1, hist_len * movie_embed_dim]
    movie_embed = movie_embed.reshape(-1)[None, :]
    # torch.cat([user_embed, movie_embed], dim=1)
    state = jnp.concatenate([user_embed, movie_embed], axis=1)
    return state

if __name__ == "__main__":
    import jax
    _d = setup_inputs()
    print(jax.jit(kernel)(*tuple(_d.values())))

</pallas_src>

<mosaic_0001>
#map = affine_map<(d0, d1) -> (0)>
#map1 = affine_map<(d0, d1) -> (0, 0)>
module attributes {stable_mosaic.version = 14 : i64} {
  func.func @_gather_body(%arg0: i32, %arg1: i32, %arg2: memref<1xi32, #tpu.memory_space<hbm>>, %arg3: memref<200xi32, #tpu.memory_space<hbm>>, %arg4: memref<32x1000000xf32, #tpu.memory_space<hbm>>, %arg5: memref<32x1000000xf32, #tpu.memory_space<hbm>>, %arg6: memref<6432xf32, #tpu.memory_space<hbm>>, %arg7: memref<16xi32, #tpu.memory_space<vmem>>, %arg8: memref<8x32x128xf32, #tpu.memory_space<vmem>>, %arg9: memref<256xf32, #tpu.memory_space<vmem>>, %arg10: memref<!tpu.dma_semaphore, #tpu.memory_space<semaphore_mem>>) attributes {dimension_semantics = [#tpu.dimension_semantics<core_parallel>, #tpu.dimension_semantics<subcore_parallel>], iteration_bounds = array<i64: 2, 16>, scalar_prefetch = 0 : i64, scratch_operands = 4 : i64, tpu.core_type = #tpu.core_type<sc_vector_subcore>, window_params = [{transform_indices = #map}, {transform_indices = #map}, {transform_indices = #map1}, {transform_indices = #map1}, {transform_indices = #map}]} {
    %mul3A = arith.constant 2 : i32
    %mul3A_0 = arith.muli %arg1, %mul3A : i32
    %add3A = arith.addi %mul3A_0, %arg0 : i32
    %lt3A = arith.constant 25 : i32
    %lt3A_1 = arith.cmpi slt, %add3A, %lt3A : i32
    %convert_element_type3A = arith.extui %lt3A_1 : i1 to i32
    %cond3A = arith.constant 0 : i32
    %cond3A_2 = arith.cmpi ne, %convert_element_type3A, %cond3A : i32
    scf.if %cond3A_2 {
      %mul3A_7 = arith.constant 8 : i32
      %mul3A_8 = arith.muli %add3A, %mul3A_7 : i32
      "tpu.region"() ({
        %run_scoped3A = tpu.sem_alloc : memref<!tpu.dma_semaphore, #tpu.memory_space<semaphore_mem>>
        %dma_start3A_837 = arith.constant 0 : i32
        %dma_start3A_838 = tpu.memref_slice %arg7[%dma_start3A_837] : memref<16xi32, #tpu.memory_space<vmem>> -> memref<8xi32, #tpu.memory_space<vmem>>
        %dma_start3A_839 = tpu.memref_slice %arg3[%mul3A_8] : memref<200xi32, #tpu.memory_space<hbm>> -> memref<8xi32, #tpu.memory_space<hbm>>
        %dma_start3A_840 = arith.constant 0 : i32
        %dma_start3A_841 = tpu.memref_slice %arg7[%dma_start3A_840] : memref<16xi32, #tpu.memory_space<vmem>> -> memref<8xi32, #tpu.memory_space<vmem>>
        %dma_start3A_842 = tpu.memref_slice %arg3[%mul3A_8] : memref<200xi32, #tpu.memory_space<hbm>> -> memref<8xi32, #tpu.memory_space<hbm>>
        tpu.enqueue_dma source(%dma_start3A_842 : memref<8xi32, #tpu.memory_space<hbm>>) target(%dma_start3A_841 : memref<8xi32, #tpu.memory_space<vmem>>) target_semaphore(%run_scoped3A : memref<!tpu.dma_semaphore, #tpu.memory_space<semaphore_mem>>)
        %dma_wait3A_843 = arith.constant 0 : i32
        %dma_wait3A_844 = tpu.memref_slice %arg7[%dma_wait3A_843] : memref<16xi32, #tpu.memory_space<vmem>> -> memref<8xi32, #tpu.memory_space<vmem>>
        %dma_wait3A_845 = tpu.memref_slice %arg3[%mul3A_8] : memref<200xi32, #tpu.memory_space<hbm>> -> memref<8xi32, #tpu.memory_space<hbm>>
        %dma_wait3A_846 = arith.constant 0 : i32
        %dma_wait3A_847 = tpu.memref_slice %arg7[%dma_wait3A_846] : memref<16xi32, #tpu.memory_space<vmem>> -> memref<8xi32, #tpu.memory_space<vmem>>
        %dma_wait3A_848 = tpu.memref_slice %arg3[%mul3A_8] : memref<200xi32, #tpu.memory_space<hbm>> -> memref<8xi32, #tpu.memory_space<hbm>>
        tpu.wait_dma2 semaphore(%run_scoped3A : memref<!tpu.dma_semaphore, #tpu.memory_space<semaphore_mem>>) src(%dma_wait3A_848 : memref<8xi32, #tpu.memory_space<hbm>>) dst(%dma_wait3A_847 : memref<8xi32, #tpu.memory_space<vmem>>)
        tpu.yield
      }) : () -> ()
      %get3A = arith.constant 0 : index
      %get3A_9 = tpu.vector_load %arg7[%get3A] {strides = array<i32>} : memref<16xi32, #tpu.memory_space<vmem>>, vector<16xi32>,
      %slice3A = vector.extract_strided_slice %get3A_9 {offsets = [0], sizes = [1], strides = [1]} : vector<16xi32> to vector<1xi32>
      %squeeze3A = vector.extract %slice3A[0] : i32 from vector<1xi32>
      %jit3A = arith.constant 128 : i32
      %div3A = arith.divsi %squeeze3A, %jit3A : i32
      %sign3A = arith.constant 0 : i32
      %sign3A_10 = arith.cmpi sgt, %squeeze3A, %sign3A : i32
      %sign3A_11 = arith.extui %sign3A_10 : i1 to i32
      %sign3A_12 = arith.constant 0 : i32
      %sign3A_13 = arith.cmpi slt, %squeeze3A, %sign3A_12 : i32
      %sign3A_14 = arith.extui %sign3A_13 : i1 to i32
      %sign3A_15 = arith.subi %sign3A_11, %sign3A_14 : i32
      %sign3A_16 = arith.constant 0 : i32
      %sign3A_17 = arith.cmpi sgt, %jit3A, %sign3A_16 : i32
      %sign3A_18 = arith.extui %sign3A_17 : i1 to i32
      %sign3A_19 = arith.constant 0 : i32
      %sign3A_20 = arith.cmpi slt, %jit3A, %sign3A_19 : i32
      %sign3A_21 = arith.extui %sign3A_20 : i1 to i32
      %sign3A_22 = arith.subi %sign3A_18, %sign3A_21 : i32
      %ne3A = arith.cmpi ne, %sign3A_15, %sign3A_22 : i32
      %rem3A = arith.remsi %squeeze3A, %jit3A : i32
      %ne3A_23 = arith.constant 0 : i32
      %ne3A_24 = arith.cmpi ne, %rem3A, %ne3A_23 : i32
      %and3A = arith.andi %ne3A, %ne3A_24 : i1
      %sub3A = arith.constant 1 : i32
      %sub3A_25 = arith.subi %div3A, %sub3A : i32
      %select_n3A = arith.select %and3A, %sub3A_25, %div3A : i32
      %mul3A_26 = arith.constant 128 : i32
      %mul3A_27 = arith.muli %select_n3A, %mul3A_26 : i32
      %multiple_of3A = tpu.assume_multiple %mul3A_27, 128 : i32
      %dma_start3A = arith.constant 0 : i32
      %dma_start3A_28 = arith.constant 0 : i32
      %dma_start3A_29 = arith.constant 0 : i32
      %dma_start3A_30 = tpu.memref_slice %arg8[%dma_start3A, %dma_start3A_28, %dma_start3A_29] : memref<8x32x128xf32, #tpu.memory_space<vmem>> -> memref<1x32x128xf32, #tpu.memory_space<vmem>>
      %dma_start3A_31 = tpu.memref_squeeze %dma_start3A_30 : memref<1x32x128xf32, #tpu.memory_space<vmem>> -> memref<32x128xf32, #tpu.memory_space<vmem>>
      %dma_start3A_32 = arith.constant 0 : i32
      %dma_start3A_33 = tpu.memref_slice %arg5[%dma_start3A_32, %multiple_of3A] : memref<32x1000000xf32, #tpu.memory_space<hbm>> -> memref<32x128xf32, #tpu.memory_space<hbm>>
      %dma_start3A_34 = arith.constant 0 : i32
      %dma_start3A_35 = arith.constant 0 : i32
      %dma_start3A_36 = tpu.memref_slice %arg8[%dma_start3A, %dma_start3A_34, %dma_start3A_35] : memref<8x32x128xf32, #tpu.memory_space<vmem>> -> memref<1x32x128xf32, #tpu.memory_space<vmem>>
      %dma_start3A_37 = tpu.memref_squeeze %dma_start3A_36 : memref<1x32x128xf32, #tpu.memory_space<vmem>> -> memref<32x128xf32, #tpu.memory_space<vmem>>
      %dma_start3A_38 = arith.constant 0 : i32
      %dma_start3A_39 = tpu.memref_slice %arg5[%dma_start3A_38, %multiple_of3A] : memref<32x1000000xf32, #tpu.memory_space<hbm>> -> memref<32x128xf32, #tpu.memory_space<hbm>>
      tpu.enqueue_dma source(%dma_start3A_39 : memref<32x128xf32, #tpu.memory_space<hbm>>) target(%dma_start3A_37 : memref<32x128xf32, #tpu.memory_space<vmem>>) target_semaphore(%arg10 : memref<!tpu.dma_semaphore, #tpu.memory_space<semaphore_mem>>)
      %slice3A_40 = vector.extract_strided_slice %get3A_9 {offsets = [1], sizes = [1], strides = [1]} : vector<16xi32> to vector<1xi32>
      %squeeze3A_41 = vector.extract %slice3A_40[0] : i32 from vector<1xi32>
      %jit3A_42 = arith.constant 128 : i32
      %div3A_43 = arith.divsi %squeeze3A_41, %jit3A_42 : i32
      %sign3A_44 = arith.constant 0 : i32
      %sign3A_45 = arith.cmpi sgt, %squeeze3A_41, %sign3A_44 : i32
      %sign3A_46 = arith.extui %sign3A_45 : i1 to i32
      %sign3A_47 = arith.constant 0 : i32
      %sign3A_48 = arith.cmpi slt, %squeeze3A_41, %sign3A_47 : i32
      %sign3A_49 = arith.extui %sign3A_48 : i1 to i32
      %sign3A_50 = arith.subi %sign3A_46, %sign3A_49 : i32
      %sign3A_51 = arith.constant 0 : i32
      %sign3A_52 = arith.cmpi sgt, %jit3A_42, %sign3A_51 : i32
      %sign3A_53 = arith.extui %sign3A_52 : i1 to i32
      %sign3A_54 = arith.constant 0 : i32
      %sign3A_55 = arith.cmpi slt, %jit3A_42, %sign3A_54 : i32
      %sign3A_56 = arith.extui %sign3A_55 : i1 to i32
      %sign3A_57 = arith.subi %sign3A_53, %sign3A_56 : i32
      %ne3A_58 = arith.cmpi ne, %sign3A_50, %sign3A_57 : i32
      %rem3A_59 = arith.remsi %squeeze3A_41, %jit3A_42 : i32
      %ne3A_60 = arith.constant 0 : i32
      %ne3A_61 = arith.cmpi ne, %rem3A_59, %ne3A_60 : i32
      %and3A_62 = arith.andi %ne3A_58, %ne3A_61 : i1
      %sub3A_63 = arith.constant 1 : i32
      %sub3A_64 = arith.subi %div3A_43, %sub3A_63 : i32
      %select_n3A_65 = arith.select %and3A_62, %sub3A_64, %div3A_43 : i32
      %mul3A_66 = arith.constant 128 : i32
      %mul3A_67 = arith.muli %select_n3A_65, %mul3A_66 : i32
      %multiple_of3A_68 = tpu.assume_multiple %mul3A_67, 128 : i32
      %dma_start3A_69 = arith.constant 1 : i32
      %dma_start3A_70 = arith.constant 0 : i32
      %dma_start3A_71 = arith.constant 0 : i32
      %dma_start3A_72 = tpu.memref_slice %arg8[%dma_start3A_69, %dma_start3A_70, %dma_start3A_71] : memref<8x32x128xf32, #tpu.memory_space<vmem>> -> memref<1x32x128xf32, #tpu.memory_space<vmem>>
      %dma_start3A_73 = tpu.memref_squeeze %dma_start3A_72 : memref<1x32x128xf32, #tpu.memory_space<vmem>> -> memref<32x128xf32, #tpu.memory_space<vmem>>
      %dma_start3A_74 = arith.constant 0 : i32
      %dma_start3A_75 = tpu.memref_slice %arg5[%dma_start3A_74, %multiple_of3A_68] : memref<32x1000000xf32, #tpu.memory_space<hbm>> -> memref<32x128xf32, #tpu.memory_space<hbm>>
      %dma_start3A_76 = arith.constant 0 : i32
      %dma_start3A_77 = arith.constant 0 : i32
      %dma_start3A_78 = tpu.memref_slice %arg8[%dma_start3A_69, %dma_start3A_76, %dma_start3A_77] : memref<8x32x128xf32, #tpu.memory_space<vmem>> -> memref<1x32x128xf32, #tpu.memory_space<vmem>>
      %dma_start3A_79 = tpu.memref_squeeze %dma_start3A_78 : memref<1x32x128xf32, #tpu.memory_space<vmem>> -> memref<32x128xf32, #tpu.memory_space<vmem>>
      %dma_start3A_80 = arith.constant 0 : i32
      %dma_start3A_81 = tpu.memref_slice %arg5[%dma_start3A_80, %multiple_of3A_68] : memref<32x1000000xf32, #tpu.memory_space<hbm>> -> memref<32x128xf32, #tpu.memory_space<hbm>>
      tpu.enqueue_dma source(%dma_start3A_81 : memref<32x128xf32, #tpu.memory_space<hbm>>) target(%dma_start3A_79 : memref<32x128xf32, #tpu.memory_space<vmem>>) target_semaphore(%arg10 : memref<!tpu.dma_semaphore, #tpu.memory_space<semaphore_mem>>)
      %slice3A_82 = vector.extract_strided_slice %get3A_9 {offsets = [2], sizes = [1], strides = [1]} : vector<16xi32> to vector<1xi32>
      %squeeze3A_83 = vector.extract %slice3A_82[0] : i32 from vector<1xi32>
      %jit3A_84 = arith.constant 128 : i32
      %div3A_85 = arith.divsi %squeeze3A_83, %jit3A_84 : i32
      %sign3A_86 = arith.constant 0 : i32
      %sign3A_87 = arith.cmpi sgt, %squeeze3A_83, %sign3A_86 : i32
      %sign3A_88 = arith.extui %sign3A_87 : i1 to i32
      %sign3A_89 = arith.constant 0 : i32
      %sign3A_90 = arith.cmpi slt, %squeeze3A_83, %sign3A_89 : i32
      %sign3A_91 = arith.extui %sign3A_90 : i1 to i32
      %sign3A_92 = arith.subi %sign3A_88, %sign3A_91 : i32
      %sign3A_93 = arith.constant 0 : i32
      %sign3A_94 = arith.cmpi sgt, %jit3A_84, %sign3A_93 : i32
      %sign3A_95 = arith.extui %sign3A_94 : i1 to i32
      %sign3A_96 = arith.constant 0 : i32
      %sign3A_97 = arith.cmpi slt, %jit3A_84, %sign3A_96 : i32
      %sign3A_98 = arith.extui %sign3A_97 : i1 to i32
      %sign3A_99 = arith.subi %sign3A_95, %sign3A_98 : i32
      %ne3A_100 = arith.cmpi ne, %sign3A_92, %sign3A_99 : i32
      %rem3A_101 = arith.remsi %squeeze3A_83, %jit3A_84 : i32
      %ne3A_102 = arith.constant 0 : i32
      %ne3A_103 = arith.cmpi ne, %rem3A_101, %ne3A_102 : i32
      %and3A_104 = arith.andi %ne3A_100, %ne3A_103 : i1
      %sub3A_105 = arith.constant 1 : i32
      %sub3A_106 = arith.subi %div3A_85, %sub3A_105 : i32
      %select_n3A_107 = arith.select %and3A_104, %sub3A_106, %div3A_85 : i32
      %mul3A_108 = arith.constant 128 : i32
      %mul3A_109 = arith.muli %select_n3A_107, %mul3A_108 : i32
      %multiple_of3A_110 = tpu.assume_multiple %mul3A_109, 128 : i32
      %dma_start3A_111 = arith.constant 2 : i32
      %dma_start3A_112 = arith.constant 0 : i32
      %dma_start3A_113 = arith.constant 0 : i32
      %dma_start3A_114 = tpu.memref_slice %arg8[%dma_start3A_111, %dma_start3A_112, %dma_start3A_113] : memref<8x32x128xf32, #tpu.memory_space<vmem>> -> memref<1x32x128xf32, #tpu.memory_space<vmem>>
      %dma_start3A_115 = tpu.memref_squeeze %dma_start3A_114 : memref<1x32x128xf32, #tpu.memory_space<vmem>> -> memref<32x128xf32, #tpu.memory_space<vmem>>
      %dma_start3A_116 = arith.constant 0 : i32
      %dma_start3A_117 = tpu.memref_slice %arg5[%dma_start3A_116, %multiple_of3A_110] : memref<32x1000000xf32, #tpu.memory_space<hbm>> -> memref<32x128xf32, #tpu.memory_space<hbm>>
      %dma_start3A_118 = arith.constant 0 : i32
      %dma_start3A_119 = arith.constant 0 : i32
      %dma_start3A_120 = tpu.memref_slice %arg8[%dma_start3A_111, %dma_start3A_118, %dma_start3A_119] : memref<8x32x128xf32, #tpu.memory_space<vmem>> -> memref<1x32x128xf32, #tpu.memory_space<vmem>>
      %dma_start3A_121 = tpu.memref_squeeze %dma_start3A_120 : memref<1x32x128xf32, #tpu.memory_space<vmem>> -> memref<32x128xf32, #tpu.memory_space<vmem>>
      %dma_start3A_122 = arith.constant 0 : i32
      %dma_start3A_123 = tpu.memref_slice %arg5[%dma_start3A_122, %multiple_of3A_110] : memref<32x1000000xf32, #tpu.memory_space<hbm>> -> memref<32x128xf32, #tpu.memory_space<hbm>>
      tpu.enqueue_dma source(%dma_start3A_123 : memref<32x128xf32, #tpu.memory_space<hbm>>) target(%dma_start3A_121 : memref<32x128xf32, #tpu.memory_space<vmem>>) target_semaphore(%arg10 : memref<!tpu.dma_semaphore, #tpu.memory_space<semaphore_mem>>)
      %slice3A_124 = vector.extract_strided_slice %get3A_9 {offsets = [3], sizes = [1], strides = [1]} : vector<16xi32> to vector<1xi32>
      %squeeze3A_125 = vector.extract %slice3A_124[0] : i32 from vector<1xi32>
      %jit3A_126 = arith.constant 128 : i32
      %div3A_127 = arith.divsi %squeeze3A_125, %jit3A_126 : i32
      %sign3A_128 = arith.constant 0 : i32
      %sign3A_129 = arith.cmpi sgt, %squeeze3A_125, %sign3A_128 : i32
      %sign3A_130 = arith.extui %sign3A_129 : i1 to i32
      %sign3A_131 = arith.constant 0 : i32
      %sign3A_132 = arith.cmpi slt, %squeeze3A_125, %sign3A_131 : i32
      %sign3A_133 = arith.extui %sign3A_132 : i1 to i32
      %sign3A_134 = arith.subi %sign3A_130, %sign3A_133 : i32
      %sign3A_135 = arith.constant 0 : i32
      %sign3A_136 = arith.cmpi sgt, %jit3A_126, %sign3A_135 : i32
      %sign3A_137 = arith.extui %sign3A_136 : i1 to i32
      %sign3A_138 = arith.constant 0 : i32
      %sign3A_139 = arith.cmpi slt, %jit3A_126, %sign3A_138 : i32
      %sign3A_140 = arith.extui %sign3A_139 : i1 to i32
      %sign3A_141 = arith.subi %sign3A_137, %sign3A_140 : i32
      %ne3A_142 = arith.cmpi ne, %sign3A_134, %sign3A_141 : i32
      %rem3A_143 = arith.remsi %squeeze3A_125, %jit3A_126 : i32
      %ne3A_144 = arith.constant 0 : i32
      %ne3A_145 = arith.cmpi ne, %rem3A_143, %ne3A_144 : i32
      %and3A_146 = arith.andi %ne3A_142, %ne3A_145 : i1
      %sub3A_147 = arith.constant 1 : i32
      %sub3A_148 = arith.subi %div3A_127, %sub3A_147 : i32
      %select_n3A_149 = arith.select %and3A_146, %sub3A_148, %div3A_127 : i32
      %mul3A_150 = arith.constant 128 : i32
      %mul3A_151 = arith.muli %select_n3A_149, %mul3A_150 : i32
      %multiple_of3A_152 = tpu.assume_multiple %mul3A_151, 128 : i32
      %dma_start3A_153 = arith.constant 3 : i32
      %dma_start3A_154 = arith.constant 0 : i32
      %dma_start3A_155 = arith.constant 0 : i32
      %dma_start3A_156 = tpu.memref_slice %arg8[%dma_start3A_153, %dma_start3A_154, %dma_start3A_155] : memref<8x32x128xf32, #tpu.memory_space<vmem>> -> memref<1x32x128xf32, #tpu.memory_space<vmem>>
      %dma_start3A_157 = tpu.memref_squeeze %dma_start3A_156 : memref<1x32x128xf32, #tpu.memory_space<vmem>> -> memref<32x128xf32, #tpu.memory_space<vmem>>
      %dma_start3A_158 = arith.constant 0 : i32
      %dma_start3A_159 = tpu.memref_slice %arg5[%dma_start3A_158, %multiple_of3A_152] : memref<32x1000000xf32, #tpu.memory_space<hbm>> -> memref<32x128xf32, #tpu.memory_space<hbm>>
      %dma_start3A_160 = arith.constant 0 : i32
      %dma_start3A_161 = arith.constant 0 : i32
      %dma_start3A_162 = tpu.memref_slice %arg8[%dma_start3A_153, %dma_start3A_160, %dma_start3A_161] : memref<8x32x128xf32, #tpu.memory_space<vmem>> -> memref<1x32x128xf32, #tpu.memory_space<vmem>>
      %dma_start3A_163 = tpu.memref_squeeze %dma_start3A_162 : memref<1x32x128xf32, #tpu.memory_space<vmem>> -> memref<32x128xf32, #tpu.memory_space<vmem>>
      %dma_start3A_164 = arith.constant 0 : i32
      %dma_start3A_165 = tpu.memref_slice %arg5[%dma_start3A_164, %multiple_of3A_152] : memref<32x1000000xf32, #tpu.memory_space<hbm>> -> memref<32x128xf32, #tpu.memory_space<hbm>>
      tpu.enqueue_dma source(%dma_start3A_165 : memref<32x128xf32, #tpu.memory_space<hbm>>) target(%dma_start3A_163 : memref<32x128xf32, #tpu.memory_space<vmem>>) target_semaphore(%arg10 : memref<!tpu.dma_semaphore, #tpu.memory_space<semaphore_mem>>)
      %slice3A_166 = vector.extract_strided_slice %get3A_9 {offsets = [4], sizes = [1], strides = [1]} : vector<16xi32> to vector<1xi32>
      %squeeze3A_167 = vector.extract %slice3A_166[0] : i32 from vector<1xi32>
      %jit3A_168 = arith.constant 128 : i32
      %div3A_169 = arith.divsi %squeeze3A_167, %jit3A_168 : i32
      %sign3A_170 = arith.constant 0 : i32
      %sign3A_171 = arith.cmpi sgt, %squeeze3A_167, %sign3A_170 : i32
      %sign3A_172 = arith.extui %sign3A_171 : i1 to i32
      %sign3A_173 = arith.constant 0 : i32
      %sign3A_174 = arith.cmpi slt, %squeeze3A_167, %sign3A_173 : i32
      %sign3A_175 = arith.extui %sign3A_174 : i1 to i32
      %sign3A_176 = arith.subi %sign3A_172, %sign3A_175 : i32
      %sign3A_177 = arith.constant 0 : i32
      %sign3A_178 = arith.cmpi sgt, %jit3A_168, %sign3A_177 : i32
      %sign3A_179 = arith.extui %sign3A_178 : i1 to i32
      %sign3A_180 = arith.constant 0 : i32
      %sign3A_181 = arith.cmpi slt, %jit3A_168, %sign3A_180 : i32
      %sign3A_182 = arith.extui %sign3A_181 : i1 to i32
      %sign3A_183 = arith.subi %sign3A_179, %sign3A_182 : i32
      %ne3A_184 = arith.cmpi ne, %sign3A_176, %sign3A_183 : i32
      %rem3A_185 = arith.remsi %squeeze3A_167, %jit3A_168 : i32
      %ne3A_186 = arith.constant 0 : i32
      %ne3A_187 = arith.cmpi ne, %rem3A_185, %ne3A_186 : i32
      %and3A_188 = arith.andi %ne3A_184, %ne3A_187 : i1
      %sub3A_189 = arith.constant 1 : i32
      %sub3A_190 = arith.subi %div3A_169, %sub3A_189 : i32
      %select_n3A_191 = arith.select %and3A_188, %sub3A_190, %div3A_169 : i32
      %mul3A_192 = arith.constant 128 : i32
      %mul3A_193 = arith.muli %select_n3A_191, %mul3A_192 : i32
      %multiple_of3A_194 = tpu.assume_multiple %mul3A_193, 128 : i32
      %dma_start3A_195 = arith.constant 4 : i32
      %dma_start3A_196 = arith.constant 0 : i32
      %dma_start3A_197 = arith.constant 0 : i32
      %dma_start3A_198 = tpu.memref_slice %arg8[%dma_start3A_195, %dma_start3A_196, %dma_start3A_197] : memref<8x32x128xf32, #tpu.memory_space<vmem>> -> memref<1x32x128xf32, #tpu.memory_space<vmem>>
      %dma_start3A_199 = tpu.memref_squeeze %dma_start3A_198 : memref<1x32x128xf32, #tpu.memory_space<vmem>> -> memref<32x128xf32, #tpu.memory_space<vmem>>
      %dma_start3A_200 = arith.constant 0 : i32
      %dma_start3A_201 = tpu.memref_slice %arg5[%dma_start3A_200, %multiple_of3A_194] : memref<32x1000000xf32, #tpu.memory_space<hbm>> -> memref<32x128xf32, #tpu.memory_space<hbm>>
      %dma_start3A_202 = arith.constant 0 : i32
      %dma_start3A_203 = arith.constant 0 : i32
      %dma_start3A_204 = tpu.memref_slice %arg8[%dma_start3A_195, %dma_start3A_202, %dma_start3A_203] : memref<8x32x128xf32, #tpu.memory_space<vmem>> -> memref<1x32x128xf32, #tpu.memory_space<vmem>>
      %dma_start3A_205 = tpu.memref_squeeze %dma_start3A_204 : memref<1x32x128xf32, #tpu.memory_space<vmem>> -> memref<32x128xf32, #tpu.memory_space<vmem>>
      %dma_start3A_206 = arith.constant 0 : i32
      %dma_start3A_207 = tpu.memref_slice %arg5[%dma_start3A_206, %multiple_of3A_194] : memref<32x1000000xf32, #tpu.memory_space<hbm>> -> memref<32x128xf32, #tpu.memory_space<hbm>>
      tpu.enqueue_dma source(%dma_start3A_207 : memref<32x128xf32, #tpu.memory_space<hbm>>) target(%dma_start3A_205 : memref<32x128xf32, #tpu.memory_space<vmem>>) target_semaphore(%arg10 : memref<!tpu.dma_semaphore, #tpu.memory_space<semaphore_mem>>)
      %slice3A_208 = vector.extract_strided_slice %get3A_9 {offsets = [5], sizes = [1], strides = [1]} : vector<16xi32> to vector<1xi32>
      %squeeze3A_209 = vector.extract %slice3A_208[0] : i32 from vector<1xi32>
      %jit3A_210 = arith.constant 128 : i32
      %div3A_211 = arith.divsi %squeeze3A_209, %jit3A_210 : i32
      %sign3A_212 = arith.constant 0 : i32
      %sign3A_213 = arith.cmpi sgt, %squeeze3A_209, %sign3A_212 : i32
      %sign3A_214 = arith.extui %sign3A_213 : i1 to i32
      %sign3A_215 = arith.constant 0 : i32
      %sign3A_216 = arith.cmpi slt, %squeeze3A_209, %sign3A_215 : i32
      %sign3A_217 = arith.extui %sign3A_216 : i1 to i32
      %sign3A_218 = arith.subi %sign3A_214, %sign3A_217 : i32
      %sign3A_219 = arith.constant 0 : i32
      %sign3A_220 = arith.cmpi sgt, %jit3A_210, %sign3A_219 : i32
      %sign3A_221 = arith.extui %sign3A_220 : i1 to i32
      %sign3A_222 = arith.constant 0 : i32
      %sign3A_223 = arith.cmpi slt, %jit3A_210, %sign3A_222 : i32
      %sign3A_224 = arith.extui %sign3A_223 : i1 to i32
      %sign3A_225 = arith.subi %sign3A_221, %sign3A_224 : i32
      %ne3A_226 = arith.cmpi ne, %sign3A_218, %sign3A_225 : i32
      %rem3A_227 = arith.remsi %squeeze3A_209, %jit3A_210 : i32
      %ne3A_228 = arith.constant 0 : i32
      %ne3A_229 = arith.cmpi ne, %rem3A_227, %ne3A_228 : i32
      %and3A_230 = arith.andi %ne3A_226, %ne3A_229 : i1
      %sub3A_231 = arith.constant 1 : i32
      %sub3A_232 = arith.subi %div3A_211, %sub3A_231 : i32
      %select_n3A_233 = arith.select %and3A_230, %sub3A_232, %div3A_211 : i32
      %mul3A_234 = arith.constant 128 : i32
      %mul3A_235 = arith.muli %select_n3A_233, %mul3A_234 : i32
      %multiple_of3A_236 = tpu.assume_multiple %mul3A_235, 128 : i32
      %dma_start3A_237 = arith.constant 5 : i32
      %dma_start3A_238 = arith.constant 0 : i32
      %dma_start3A_239 = arith.constant 0 : i32
      %dma_start3A_240 = tpu.memref_slice %arg8[%dma_start3A_237, %dma_start3A_238, %dma_start3A_239] : memref<8x32x128xf32, #tpu.memory_space<vmem>> -> memref<1x32x128xf32, #tpu.memory_space<vmem>>
      %dma_start3A_241 = tpu.memref_squeeze %dma_start3A_240 : memref<1x32x128xf32, #tpu.memory_space<vmem>> -> memref<32x128xf32, #tpu.memory_space<vmem>>
      %dma_start3A_242 = arith.constant 0 : i32
      %dma_start3A_243 = tpu.memref_slice %arg5[%dma_start3A_242, %multiple_of3A_236] : memref<32x1000000xf32, #tpu.memory_space<hbm>> -> memref<32x128xf32, #tpu.memory_space<hbm>>
      %dma_start3A_244 = arith.constant 0 : i32
      %dma_start3A_245 = arith.constant 0 : i32
      %dma_start3A_246 = tpu.memref_slice %arg8[%dma_start3A_237, %dma_start3A_244, %dma_start3A_245] : memref<8x32x128xf32, #tpu.memory_space<vmem>> -> memref<1x32x128xf32, #tpu.memory_space<vmem>>
      %dma_start3A_247 = tpu.memref_squeeze %dma_start3A_246 : memref<1x32x128xf32, #tpu.memory_space<vmem>> -> memref<32x128xf32, #tpu.memory_space<vmem>>
      %dma_start3A_248 = arith.constant 0 : i32
      %dma_start3A_249 = tpu.memref_slice %arg5[%dma_start3A_248, %multiple_of3A_236] : memref<32x1000000xf32, #tpu.memory_space<hbm>> -> memref<32x128xf32, #tpu.memory_space<hbm>>
      tpu.enqueue_dma source(%dma_start3A_249 : memref<32x128xf32, #tpu.memory_space<hbm>>) target(%dma_start3A_247 : memref<32x128xf32, #tpu.memory_space<vmem>>) target_semaphore(%arg10 : memref<!tpu.dma_semaphore, #tpu.memory_space<semaphore_mem>>)
      %slice3A_250 = vector.extract_strided_slice %get3A_9 {offsets = [6], sizes = [1], strides = [1]} : vector<16xi32> to vector<1xi32>
      %squeeze3A_251 = vector.extract %slice3A_250[0] : i32 from vector<1xi32>
      %jit3A_252 = arith.constant 128 : i32
      %div3A_253 = arith.divsi %squeeze3A_251, %jit3A_252 : i32
      %sign3A_254 = arith.constant 0 : i32
      %sign3A_255 = arith.cmpi sgt, %squeeze3A_251, %sign3A_254 : i32
      %sign3A_256 = arith.extui %sign3A_255 : i1 to i32
      %sign3A_257 = arith.constant 0 : i32
      %sign3A_258 = arith.cmpi slt, %squeeze3A_251, %sign3A_257 : i32
      %sign3A_259 = arith.extui %sign3A_258 : i1 to i32
      %sign3A_260 = arith.subi %sign3A_256, %sign3A_259 : i32
      %sign3A_261 = arith.constant 0 : i32
      %sign3A_262 = arith.cmpi sgt, %jit3A_252, %sign3A_261 : i32
      %sign3A_263 = arith.extui %sign3A_262 : i1 to i32
      %sign3A_264 = arith.constant 0 : i32
      %sign3A_265 = arith.cmpi slt, %jit3A_252, %sign3A_264 : i32
      %sign3A_266 = arith.extui %sign3A_265 : i1 to i32
      %sign3A_267 = arith.subi %sign3A_263, %sign3A_266 : i32
      %ne3A_268 = arith.cmpi ne, %sign3A_260, %sign3A_267 : i32
      %rem3A_269 = arith.remsi %squeeze3A_251, %jit3A_252 : i32
      %ne3A_270 = arith.constant 0 : i32
      %ne3A_271 = arith.cmpi ne, %rem3A_269, %ne3A_270 : i32
      %and3A_272 = arith.andi %ne3A_268, %ne3A_271 : i1
      %sub3A_273 = arith.constant 1 : i32
      %sub3A_274 = arith.subi %div3A_253, %sub3A_273 : i32
      %select_n3A_275 = arith.select %and3A_272, %sub3A_274, %div3A_253 : i32
      %mul3A_276 = arith.constant 128 : i32
      %mul3A_277 = arith.muli %select_n3A_275, %mul3A_276 : i32
      %multiple_of3A_278 = tpu.assume_multiple %mul3A_277, 128 : i32
      %dma_start3A_279 = arith.constant 6 : i32
      %dma_start3A_280 = arith.constant 0 : i32
      %dma_start3A_281 = arith.constant 0 : i32
      %dma_start3A_282 = tpu.memref_slice %arg8[%dma_start3A_279, %dma_start3A_280, %dma_start3A_281] : memref<8x32x128xf32, #tpu.memory_space<vmem>> -> memref<1x32x128xf32, #tpu.memory_space<vmem>>
      %dma_start3A_283 = tpu.memref_squeeze %dma_start3A_282 : memref<1x32x128xf32, #tpu.memory_space<vmem>> -> memref<32x128xf32, #tpu.memory_space<vmem>>
      %dma_start3A_284 = arith.constant 0 : i32
      %dma_start3A_285 = tpu.memref_slice %arg5[%dma_start3A_284, %multiple_of3A_278] : memref<32x1000000xf32, #tpu.memory_space<hbm>> -> memref<32x128xf32, #tpu.memory_space<hbm>>
      %dma_start3A_286 = arith.constant 0 : i32
      %dma_start3A_287 = arith.constant 0 : i32
      %dma_start3A_288 = tpu.memref_slice %arg8[%dma_start3A_279, %dma_start3A_286, %dma_start3A_287] : memref<8x32x128xf32, #tpu.memory_space<vmem>> -> memref<1x32x128xf32, #tpu.memory_space<vmem>>
      %dma_start3A_289 = tpu.memref_squeeze %dma_start3A_288 : memref<1x32x128xf32, #tpu.memory_space<vmem>> -> memref<32x128xf32, #tpu.memory_space<vmem>>
      %dma_start3A_290 = arith.constant 0 : i32
      %dma_start3A_291 = tpu.memref_slice %arg5[%dma_start3A_290, %multiple_of3A_278] : memref<32x1000000xf32, #tpu.memory_space<hbm>> -> memref<32x128xf32, #tpu.memory_space<hbm>>
      tpu.enqueue_dma source(%dma_start3A_291 : memref<32x128xf32, #tpu.memory_space<hbm>>) target(%dma_start3A_289 : memref<32x128xf32, #tpu.memory_space<vmem>>) target_semaphore(%arg10 : memref<!tpu.dma_semaphore, #tpu.memory_space<semaphore_mem>>)
      %slice3A_292 = vector.extract_strided_slice %get3A_9 {offsets = [7], sizes = [1], strides = [1]} : vector<16xi32> to vector<1xi32>
      %squeeze3A_293 = vector.extract %slice3A_292[0] : i32 from vector<1xi32>
      %jit3A_294 = arith.constant 128 : i32
      %div3A_295 = arith.divsi %squeeze3A_293, %jit3A_294 : i32
      %sign3A_296 = arith.constant 0 : i32
      %sign3A_297 = arith.cmpi sgt, %squeeze3A_293, %sign3A_296 : i32
      %sign3A_298 = arith.extui %sign3A_297 : i1 to i32
      %sign3A_299 = arith.constant 0 : i32
      %sign3A_300 = arith.cmpi slt, %squeeze3A_293, %sign3A_299 : i32
      %sign3A_301 = arith.extui %sign3A_300 : i1 to i32
      %sign3A_302 = arith.subi %sign3A_298, %sign3A_301 : i32
      %sign3A_303 = arith.constant 0 : i32
      %sign3A_304 = arith.cmpi sgt, %jit3A_294, %sign3A_303 : i32
      %sign3A_305 = arith.extui %sign3A_304 : i1 to i32
      %sign3A_306 = arith.constant 0 : i32
      %sign3A_307 = arith.cmpi slt, %jit3A_294, %sign3A_306 : i32
      %sign3A_308 = arith.extui %sign3A_307 : i1 to i32
      %sign3A_309 = arith.subi %sign3A_305, %sign3A_308 : i32
      %ne3A_310 = arith.cmpi ne, %sign3A_302, %sign3A_309 : i32
      %rem3A_311 = arith.remsi %squeeze3A_293, %jit3A_294 : i32
      %ne3A_312 = arith.constant 0 : i32
      %ne3A_313 = arith.cmpi ne, %rem3A_311, %ne3A_312 : i32
      %and3A_314 = arith.andi %ne3A_310, %ne3A_313 : i1
      %sub3A_315 = arith.constant 1 : i32
      %sub3A_316 = arith.subi %div3A_295, %sub3A_315 : i32
      %select_n3A_317 = arith.select %and3A_314, %sub3A_316, %div3A_295 : i32
      %mul3A_318 = arith.constant 128 : i32
      %mul3A_319 = arith.muli %select_n3A_317, %mul3A_318 : i32
      %multiple_of3A_320 = tpu.assume_multiple %mul3A_319, 128 : i32
      %dma_start3A_321 = arith.constant 7 : i32
      %dma_start3A_322 = arith.constant 0 : i32
      %dma_start3A_323 = arith.constant 0 : i32
      %dma_start3A_324 = tpu.memref_slice %arg8[%dma_start3A_321, %dma_start3A_322, %dma_start3A_323] : memref<8x32x128xf32, #tpu.memory_space<vmem>> -> memref<1x32x128xf32, #tpu.memory_space<vmem>>
      %dma_start3A_325 = tpu.memref_squeeze %dma_start3A_324 : memref<1x32x128xf32, #tpu.memory_space<vmem>> -> memref<32x128xf32, #tpu.memory_space<vmem>>
      %dma_start3A_326 = arith.constant 0 : i32
      %dma_start3A_327 = tpu.memref_slice %arg5[%dma_start3A_326, %multiple_of3A_320] : memref<32x1000000xf32, #tpu.memory_space<hbm>> -> memref<32x128xf32, #tpu.memory_space<hbm>>
      %dma_start3A_328 = arith.constant 0 : i32
      %dma_start3A_329 = arith.constant 0 : i32
      %dma_start3A_330 = tpu.memref_slice %arg8[%dma_start3A_321, %dma_start3A_328, %dma_start3A_329] : memref<8x32x128xf32, #tpu.memory_space<vmem>> -> memref<1x32x128xf32, #tpu.memory_space<vmem>>
      %dma_start3A_331 = tpu.memref_squeeze %dma_start3A_330 : memref<1x32x128xf32, #tpu.memory_space<vmem>> -> memref<32x128xf32, #tpu.memory_space<vmem>>
      %dma_start3A_332 = arith.constant 0 : i32
      %dma_start3A_333 = tpu.memref_slice %arg5[%dma_start3A_332, %multiple_of3A_320] : memref<32x1000000xf32, #tpu.memory_space<hbm>> -> memref<32x128xf32, #tpu.memory_space<hbm>>
      tpu.enqueue_dma source(%dma_start3A_333 : memref<32x128xf32, #tpu.memory_space<hbm>>) target(%dma_start3A_331 : memref<32x128xf32, #tpu.memory_space<vmem>>) target_semaphore(%arg10 : memref<!tpu.dma_semaphore, #tpu.memory_space<semaphore_mem>>)
      %dma_wait3A = arith.constant 0 : i32
      %dma_wait3A_334 = arith.constant 0 : i32
      %dma_wait3A_335 = arith.constant 0 : i32
      %dma_wait3A_336 = tpu.memref_slice %arg8[%dma_wait3A, %dma_wait3A_334, %dma_wait3A_335] : memref<8x32x128xf32, #tpu.memory_space<vmem>> -> memref<1x32x128xf32, #tpu.memory_space<vmem>>
      %dma_wait3A_337 = tpu.memref_squeeze %dma_wait3A_336 : memref<1x32x128xf32, #tpu.memory_space<vmem>> -> memref<32x128xf32, #tpu.memory_space<vmem>>
      %dma_wait3A_338 = arith.constant 0 : i32
      %dma_wait3A_339 = tpu.memref_slice %arg5[%dma_wait3A_338, %multiple_of3A] : memref<32x1000000xf32, #tpu.memory_space<hbm>> -> memref<32x128xf32, #tpu.memory_space<hbm>>
      %dma_wait3A_340 = arith.constant 0 : i32
      %dma_wait3A_341 = arith.constant 0 : i32
      %dma_wait3A_342 = tpu.memref_slice %arg8[%dma_wait3A, %dma_wait3A_340, %dma_wait3A_341] : memref<8x32x128xf32, #tpu.memory_space<vmem>> -> memref<1x32x128xf32, #tpu.memory_space<vmem>>
      %dma_wait3A_343 = tpu.memref_squeeze %dma_wait3A_342 : memref<1x32x128xf32, #tpu.memory_space<vmem>> -> memref<32x128xf32, #tpu.memory_space<vmem>>
      %dma_wait3A_344 = arith.constant 0 : i32
      %dma_wait3A_345 = tpu.memref_slice %arg5[%dma_wait3A_344, %multiple_of3A] : memref<32x1000000xf32, #tpu.memory_space<hbm>> -> memref<32x128xf32, #tpu.memory_space<hbm>>
      tpu.wait_dma2 semaphore(%arg10 : memref<!tpu.dma_semaphore, #tpu.memory_space<semaphore_mem>>) src(%dma_wait3A_345 : memref<32x128xf32, #tpu.memory_space<hbm>>) dst(%dma_wait3A_343 : memref<32x128xf32, #tpu.memory_space<vmem>>)
      %dma_wait3A_346 = arith.constant 1 : i32
      %dma_wait3A_347 = arith.constant 0 : i32
      %dma_wait3A_348 = arith.constant 0 : i32
      %dma_wait3A_349 = tpu.memref_slice %arg8[%dma_wait3A_346, %dma_wait3A_347, %dma_wait3A_348] : memref<8x32x128xf32, #tpu.memory_space<vmem>> -> memref<1x32x128xf32, #tpu.memory_space<vmem>>
      %dma_wait3A_350 = tpu.memref_squeeze %dma_wait3A_349 : memref<1x32x128xf32, #tpu.memory_space<vmem>> -> memref<32x128xf32, #tpu.memory_space<vmem>>
      %dma_wait3A_351 = arith.constant 0 : i32
      %dma_wait3A_352 = tpu.memref_slice %arg5[%dma_wait3A_351, %multiple_of3A_68] : memref<32x1000000xf32, #tpu.memory_space<hbm>> -> memref<32x128xf32, #tpu.memory_space<hbm>>
      %dma_wait3A_353 = arith.constant 0 : i32
      %dma_wait3A_354 = arith.constant 0 : i32
      %dma_wait3A_355 = tpu.memref_slice %arg8[%dma_wait3A_346, %dma_wait3A_353, %dma_wait3A_354] : memref<8x32x128xf32, #tpu.memory_space<vmem>> -> memref<1x32x128xf32, #tpu.memory_space<vmem>>
      %dma_wait3A_356 = tpu.memref_squeeze %dma_wait3A_355 : memref<1x32x128xf32, #tpu.memory_space<vmem>> -> memref<32x128xf32, #tpu.memory_space<vmem>>
      %dma_wait3A_357 = arith.constant 0 : i32
      %dma_wait3A_358 = tpu.memref_slice %arg5[%dma_wait3A_357, %multiple_of3A_68] : memref<32x1000000xf32, #tpu.memory_space<hbm>> -> memref<32x128xf32, #tpu.memory_space<hbm>>
      tpu.wait_dma2 semaphore(%arg10 : memref<!tpu.dma_semaphore, #tpu.memory_space<semaphore_mem>>) src(%dma_wait3A_358 : memref<32x128xf32, #tpu.memory_space<hbm>>) dst(%dma_wait3A_356 : memref<32x128xf32, #tpu.memory_space<vmem>>)
      %dma_wait3A_359 = arith.constant 2 : i32
      %dma_wait3A_360 = arith.constant 0 : i32
      %dma_wait3A_361 = arith.constant 0 : i32
      %dma_wait3A_362 = tpu.memref_slice %arg8[%dma_wait3A_359, %dma_wait3A_360, %dma_wait3A_361] : memref<8x32x128xf32, #tpu.memory_space<vmem>> -> memref<1x32x128xf32, #tpu.memory_space<vmem>>
      %dma_wait3A_363 = tpu.memref_squeeze %dma_wait3A_362 : memref<1x32x128xf32, #tpu.memory_space<vmem>> -> memref<32x128xf32, #tpu.memory_space<vmem>>
      %dma_wait3A_364 = arith.constant 0 : i32
      %dma_wait3A_365 = tpu.memref_slice %arg5[%dma_wait3A_364, %multiple_of3A_110] : memref<32x1000000xf32, #tpu.memory_space<hbm>> -> memref<32x128xf32, #tpu.memory_space<hbm>>
      %dma_wait3A_366 = arith.constant 0 : i32
      %dma_wait3A_367 = arith.constant 0 : i32
      %dma_wait3A_368 = tpu.memref_slice %arg8[%dma_wait3A_359, %dma_wait3A_366, %dma_wait3A_367] : memref<8x32x128xf32, #tpu.memory_space<vmem>> -> memref<1x32x128xf32, #tpu.memory_space<vmem>>
      %dma_wait3A_369 = tpu.memref_squeeze %dma_wait3A_368 : memref<1x32x128xf32, #tpu.memory_space<vmem>> -> memref<32x128xf32, #tpu.memory_space<vmem>>
      %dma_wait3A_370 = arith.constant 0 : i32
      %dma_wait3A_371 = tpu.memref_slice %arg5[%dma_wait3A_370, %multiple_of3A_110] : memref<32x1000000xf32, #tpu.memory_space<hbm>> -> memref<32x128xf32, #tpu.memory_space<hbm>>
      tpu.wait_dma2 semaphore(%arg10 : memref<!tpu.dma_semaphore, #tpu.memory_space<semaphore_mem>>) src(%dma_wait3A_371 : memref<32x128xf32, #tpu.memory_space<hbm>>) dst(%dma_wait3A_369 : memref<32x128xf32, #tpu.memory_space<vmem>>)
      %dma_wait3A_372 = arith.constant 3 : i32
      %dma_wait3A_373 = arith.constant 0 : i32
      %dma_wait3A_374 = arith.constant 0 : i32
      %dma_wait3A_375 = tpu.memref_slice %arg8[%dma_wait3A_372, %dma_wait3A_373, %dma_wait3A_374] : memref<8x32x128xf32, #tpu.memory_space<vmem>> -> memref<1x32x128xf32, #tpu.memory_space<vmem>>
      %dma_wait3A_376 = tpu.memref_squeeze %dma_wait3A_375 : memref<1x32x128xf32, #tpu.memory_space<vmem>> -> memref<32x128xf32, #tpu.memory_space<vmem>>
      %dma_wait3A_377 = arith.constant 0 : i32
      %dma_wait3A_378 = tpu.memref_slice %arg5[%dma_wait3A_377, %multiple_of3A_152] : memref<32x1000000xf32, #tpu.memory_space<hbm>> -> memref<32x128xf32, #tpu.memory_space<hbm>>
      %dma_wait3A_379 = arith.constant 0 : i32
      %dma_wait3A_380 = arith.constant 0 : i32
      %dma_wait3A_381 = tpu.memref_slice %arg8[%dma_wait3A_372, %dma_wait3A_379, %dma_wait3A_380] : memref<8x32x128xf32, #tpu.memory_space<vmem>> -> memref<1x32x128xf32, #tpu.memory_space<vmem>>
      %dma_wait3A_382 = tpu.memref_squeeze %dma_wait3A_381 : memref<1x32x128xf32, #tpu.memory_space<vmem>> -> memref<32x128xf32, #tpu.memory_space<vmem>>
      %dma_wait3A_383 = arith.constant 0 : i32
      %dma_wait3A_384 = tpu.memref_slice %arg5[%dma_wait3A_383, %multiple_of3A_152] : memref<32x1000000xf32, #tpu.memory_space<hbm>> -> memref<32x128xf32, #tpu.memory_space<hbm>>
      tpu.wait_dma2 semaphore(%arg10 : memref<!tpu.dma_semaphore, #tpu.memory_space<semaphore_mem>>) src(%dma_wait3A_384 : memref<32x128xf32, #tpu.memory_space<hbm>>) dst(%dma_wait3A_382 : memref<32x128xf32, #tpu.memory_space<vmem>>)
      %dma_wait3A_385 = arith.constant 4 : i32
      %dma_wait3A_386 = arith.constant 0 : i32
      %dma_wait3A_387 = arith.constant 0 : i32
      %dma_wait3A_388 = tpu.memref_slice %arg8[%dma_wait3A_385, %dma_wait3A_386, %dma_wait3A_387] : memref<8x32x128xf32, #tpu.memory_space<vmem>> -> memref<1x32x128xf32, #tpu.memory_space<vmem>>
      %dma_wait3A_389 = tpu.memref_squeeze %dma_wait3A_388 : memref<1x32x128xf32, #tpu.memory_space<vmem>> -> memref<32x128xf32, #tpu.memory_space<vmem>>
      %dma_wait3A_390 = arith.constant 0 : i32
      %dma_wait3A_391 = tpu.memref_slice %arg5[%dma_wait3A_390, %multiple_of3A_194] : memref<32x1000000xf32, #tpu.memory_space<hbm>> -> memref<32x128xf32, #tpu.memory_space<hbm>>
      %dma_wait3A_392 = arith.constant 0 : i32
      %dma_wait3A_393 = arith.constant 0 : i32
      %dma_wait3A_394 = tpu.memref_slice %arg8[%dma_wait3A_385, %dma_wait3A_392, %dma_wait3A_393] : memref<8x32x128xf32, #tpu.memory_space<vmem>> -> memref<1x32x128xf32, #tpu.memory_space<vmem>>
      %dma_wait3A_395 = tpu.memref_squeeze %dma_wait3A_394 : memref<1x32x128xf32, #tpu.memory_space<vmem>> -> memref<32x128xf32, #tpu.memory_space<vmem>>
      %dma_wait3A_396 = arith.constant 0 : i32
      %dma_wait3A_397 = tpu.memref_slice %arg5[%dma_wait3A_396, %multiple_of3A_194] : memref<32x1000000xf32, #tpu.memory_space<hbm>> -> memref<32x128xf32, #tpu.memory_space<hbm>>
      tpu.wait_dma2 semaphore(%arg10 : memref<!tpu.dma_semaphore, #tpu.memory_space<semaphore_mem>>) src(%dma_wait3A_397 : memref<32x128xf32, #tpu.memory_space<hbm>>) dst(%dma_wait3A_395 : memref<32x128xf32, #tpu.memory_space<vmem>>)
      %dma_wait3A_398 = arith.constant 5 : i32
      %dma_wait3A_399 = arith.constant 0 : i32
      %dma_wait3A_400 = arith.constant 0 : i32
      %dma_wait3A_401 = tpu.memref_slice %arg8[%dma_wait3A_398, %dma_wait3A_399, %dma_wait3A_400] : memref<8x32x128xf32, #tpu.memory_space<vmem>> -> memref<1x32x128xf32, #tpu.memory_space<vmem>>
      %dma_wait3A_402 = tpu.memref_squeeze %dma_wait3A_401 : memref<1x32x128xf32, #tpu.memory_space<vmem>> -> memref<32x128xf32, #tpu.memory_space<vmem>>
      %dma_wait3A_403 = arith.constant 0 : i32
      %dma_wait3A_404 = tpu.memref_slice %arg5[%dma_wait3A_403, %multiple_of3A_236] : memref<32x1000000xf32, #tpu.memory_space<hbm>> -> memref<32x128xf32, #tpu.memory_space<hbm>>
      %dma_wait3A_405 = arith.constant 0 : i32
      %dma_wait3A_406 = arith.constant 0 : i32
      %dma_wait3A_407 = tpu.memref_slice %arg8[%dma_wait3A_398, %dma_wait3A_405, %dma_wait3A_406] : memref<8x32x128xf32, #tpu.memory_space<vmem>> -> memref<1x32x128xf32, #tpu.memory_space<vmem>>
      %dma_wait3A_408 = tpu.memref_squeeze %dma_wait3A_407 : memref<1x32x128xf32, #tpu.memory_space<vmem>> -> memref<32x128xf32, #tpu.memory_space<vmem>>
      %dma_wait3A_409 = arith.constant 0 : i32
      %dma_wait3A_410 = tpu.memref_slice %arg5[%dma_wait3A_409, %multiple_of3A_236] : memref<32x1000000xf32, #tpu.memory_space<hbm>> -> memref<32x128xf32, #tpu.memory_space<hbm>>
      tpu.wait_dma2 semaphore(%arg10 : memref<!tpu.dma_semaphore, #tpu.memory_space<semaphore_mem>>) src(%dma_wait3A_410 : memref<32x128xf32, #tpu.memory_space<hbm>>) dst(%dma_wait3A_408 : memref<32x128xf32, #tpu.memory_space<vmem>>)
      %dma_wait3A_411 = arith.constant 6 : i32
      %dma_wait3A_412 = arith.constant 0 : i32
      %dma_wait3A_413 = arith.constant 0 : i32
      %dma_wait3A_414 = tpu.memref_slice %arg8[%dma_wait3A_411, %dma_wait3A_412, %dma_wait3A_413] : memref<8x32x128xf32, #tpu.memory_space<vmem>> -> memref<1x32x128xf32, #tpu.memory_space<vmem>>
      %dma_wait3A_415 = tpu.memref_squeeze %dma_wait3A_414 : memref<1x32x128xf32, #tpu.memory_space<vmem>> -> memref<32x128xf32, #tpu.memory_space<vmem>>
      %dma_wait3A_416 = arith.constant 0 : i32
      %dma_wait3A_417 = tpu.memref_slice %arg5[%dma_wait3A_416, %multiple_of3A_278] : memref<32x1000000xf32, #tpu.memory_space<hbm>> -> memref<32x128xf32, #tpu.memory_space<hbm>>
      %dma_wait3A_418 = arith.constant 0 : i32
      %dma_wait3A_419 = arith.constant 0 : i32
      %dma_wait3A_420 = tpu.memref_slice %arg8[%dma_wait3A_411, %dma_wait3A_418, %dma_wait3A_419] : memref<8x32x128xf32, #tpu.memory_space<vmem>> -> memref<1x32x128xf32, #tpu.memory_space<vmem>>
      %dma_wait3A_421 = tpu.memref_squeeze %dma_wait3A_420 : memref<1x32x128xf32, #tpu.memory_space<vmem>> -> memref<32x128xf32, #tpu.memory_space<vmem>>
      %dma_wait3A_422 = arith.constant 0 : i32
      %dma_wait3A_423 = tpu.memref_slice %arg5[%dma_wait3A_422, %multiple_of3A_278] : memref<32x1000000xf32, #tpu.memory_space<hbm>> -> memref<32x128xf32, #tpu.memory_space<hbm>>
      tpu.wait_dma2 semaphore(%arg10 : memref<!tpu.dma_semaphore, #tpu.memory_space<semaphore_mem>>) src(%dma_wait3A_423 : memref<32x128xf32, #tpu.memory_space<hbm>>) dst(%dma_wait3A_421 : memref<32x128xf32, #tpu.memory_space<vmem>>)
      %dma_wait3A_424 = arith.constant 7 : i32
      %dma_wait3A_425 = arith.constant 0 : i32
      %dma_wait3A_426 = arith.constant 0 : i32
      %dma_wait3A_427 = tpu.memref_slice %arg8[%dma_wait3A_424, %dma_wait3A_425, %dma_wait3A_426] : memref<8x32x128xf32, #tpu.memory_space<vmem>> -> memref<1x32x128xf32, #tpu.memory_space<vmem>>
      %dma_wait3A_428 = tpu.memref_squeeze %dma_wait3A_427 : memref<1x32x128xf32, #tpu.memory_space<vmem>> -> memref<32x128xf32, #tpu.memory_space<vmem>>
      %dma_wait3A_429 = arith.constant 0 : i32
      %dma_wait3A_430 = tpu.memref_slice %arg5[%dma_wait3A_429, %multiple_of3A_320] : memref<32x1000000xf32, #tpu.memory_space<hbm>> -> memref<32x128xf32, #tpu.memory_space<hbm>>
      %dma_wait3A_431 = arith.constant 0 : i32
      %dma_wait3A_432 = arith.constant 0 : i32
      %dma_wait3A_433 = tpu.memref_slice %arg8[%dma_wait3A_424, %dma_wait3A_431, %dma_wait3A_432] : memref<8x32x128xf32, #tpu.memory_space<vmem>> -> memref<1x32x128xf32, #tpu.memory_space<vmem>>
      %dma_wait3A_434 = tpu.memref_squeeze %dma_wait3A_433 : memref<1x32x128xf32, #tpu.memory_space<vmem>> -> memref<32x128xf32, #tpu.memory_space<vmem>>
      %dma_wait3A_435 = arith.constant 0 : i32
      %dma_wait3A_436 = tpu.memref_slice %arg5[%dma_wait3A_435, %multiple_of3A_320] : memref<32x1000000xf32, #tpu.memory_space<hbm>> -> memref<32x128xf32, #tpu.memory_space<hbm>>
      tpu.wait_dma2 semaphore(%arg10 : memref<!tpu.dma_semaphore, #tpu.memory_space<semaphore_mem>>) src(%dma_wait3A_436 : memref<32x128xf32, #tpu.memory_space<hbm>>) dst(%dma_wait3A_434 : memref<32x128xf32, #tpu.memory_space<vmem>>)
      %slice3A_437 = vector.extract_strided_slice %get3A_9 {offsets = [0], sizes = [1], strides = [1]} : vector<16xi32> to vector<1xi32>
      %squeeze3A_438 = vector.extract %slice3A_437[0] : i32 from vector<1xi32>
      %jit3A_439 = arith.constant 128 : i32
      %eq3A_440 = arith.constant 0 : i32
      %eq3A_441 = arith.cmpi eq, %jit3A_439, %eq3A_440 : i32
      %jit3A_442 = arith.constant 1 : i32
      %select_n3A_443 = arith.select %eq3A_441, %jit3A_442, %jit3A_439 : i32
      %rem3A_444 = arith.remsi %squeeze3A_438, %select_n3A_443 : i32
      %ne3A_445 = arith.constant 0 : i32
      %ne3A_446 = arith.cmpi ne, %rem3A_444, %ne3A_445 : i32
      %lt3A_447 = arith.constant 0 : i32
      %lt3A_448 = arith.cmpi slt, %rem3A_444, %lt3A_447 : i32
      %lt3A_449 = arith.constant 0 : i32
      %lt3A_450 = arith.cmpi slt, %select_n3A_443, %lt3A_449 : i32
      %ne3A_451 = arith.xori %lt3A_448, %lt3A_450 : i1
      %and3A_452 = arith.andi %ne3A_451, %ne3A_446 : i1
      %add3A_453 = arith.addi %rem3A_444, %select_n3A_443 : i32
      %select_n3A_454 = arith.select %and3A_452, %add3A_453, %rem3A_444 : i32
      %iota3A = tpu.iota {dimensions = array<i32: 0>} : vector<16xi32>
      %add3A_455 = arith.constant 0 : i32
      %add3A_456 = vector.broadcast %add3A_455 : i32 to vector<16xi32>
      %add3A_457 = arith.addi %iota3A, %add3A_456 : vector<16xi32>
      %broadcast_in_dim3A = arith.constant 0 : i32
      %broadcast_in_dim3A_458 = vector.broadcast %broadcast_in_dim3A : i32 to vector<16xi32>
      %add3A_459 = vector.broadcast %select_n3A_454 : i32 to vector<16xi32>
      %add3A_460 = arith.addi %broadcast_in_dim3A_458, %add3A_459 : vector<16xi32>
      %gather3A = arith.constant 0 : i32
      %gather3A_461 = arith.constant 0 : i32
      %gather3A_462 = arith.constant 0 : i32
      %gather3A_463 = tpu.memref_slice %arg8[%gather3A, %gather3A_461, %gather3A_462] : memref<8x32x128xf32, #tpu.memory_space<vmem>> -> memref<1x32x128xf32, #tpu.memory_space<vmem>>
      %gather3A_464 = tpu.memref_squeeze %gather3A_463 : memref<1x32x128xf32, #tpu.memory_space<vmem>> -> memref<32x128xf32, #tpu.memory_space<vmem>>
      %gather3A_465 = tpu.vector_load_idx %gather3A_464[%add3A_457, %add3A_460] : memref<32x128xf32, #tpu.memory_space<vmem>>[vector<16xi32>, vector<16xi32>], vector<16xf32>,
      %swap3A = arith.constant 0 : index
      %swap3A_466 = tpu.vector_load %arg9[%swap3A] {strides = array<i32>} : memref<256xf32, #tpu.memory_space<vmem>>, vector<16xf32>,
      tpu.vector_store %arg9[%swap3A], %gather3A_465 {strides = array<i32>} : memref<256xf32, #tpu.memory_space<vmem>>, vector<16xf32>,
      %iota3A_467 = tpu.iota {dimensions = array<i32: 0>} : vector<16xi32>
      %add3A_468 = arith.constant 16 : i32
      %add3A_469 = vector.broadcast %add3A_468 : i32 to vector<16xi32>
      %add3A_470 = arith.addi %iota3A_467, %add3A_469 : vector<16xi32>
      %broadcast_in_dim3A_471 = arith.constant 0 : i32
      %broadcast_in_dim3A_472 = vector.broadcast %broadcast_in_dim3A_471 : i32 to vector<16xi32>
      %add3A_473 = vector.broadcast %select_n3A_454 : i32 to vector<16xi32>
      %add3A_474 = arith.addi %broadcast_in_dim3A_472, %add3A_473 : vector<16xi32>
      %gather3A_475 = arith.constant 0 : i32
      %gather3A_476 = arith.constant 0 : i32
      %gather3A_477 = arith.constant 0 : i32
      %gather3A_478 = tpu.memref_slice %arg8[%gather3A_475, %gather3A_476, %gather3A_477] : memref<8x32x128xf32, #tpu.memory_space<vmem>> -> memref<1x32x128xf32, #tpu.memory_space<vmem>>
      %gather3A_479 = tpu.memref_squeeze %gather3A_478 : memref<1x32x128xf32, #tpu.memory_space<vmem>> -> memref<32x128xf32, #tpu.memory_space<vmem>>
      %gather3A_480 = tpu.vector_load_idx %gather3A_479[%add3A_470, %add3A_474] : memref<32x128xf32, #tpu.memory_space<vmem>>[vector<16xi32>, vector<16xi32>], vector<16xf32>,
      %swap3A_481 = arith.constant 16 : index
      %swap3A_482 = tpu.vector_load %arg9[%swap3A_481] {strides = array<i32>} : memref<256xf32, #tpu.memory_space<vmem>>, vector<16xf32>,
      tpu.vector_store %arg9[%swap3A_481], %gather3A_480 {strides = array<i32>} : memref<256xf32, #tpu.memory_space<vmem>>, vector<16xf32>,
      %slice3A_483 = vector.extract_strided_slice %get3A_9 {offsets = [1], sizes = [1], strides = [1]} : vector<16xi32> to vector<1xi32>
      %squeeze3A_484 = vector.extract %slice3A_483[0] : i32 from vector<1xi32>
      %jit3A_485 = arith.constant 128 : i32
      %eq3A_486 = arith.constant 0 : i32
      %eq3A_487 = arith.cmpi eq, %jit3A_485, %eq3A_486 : i32
      %jit3A_488 = arith.constant 1 : i32
      %select_n3A_489 = arith.select %eq3A_487, %jit3A_488, %jit3A_485 : i32
      %rem3A_490 = arith.remsi %squeeze3A_484, %select_n3A_489 : i32
      %ne3A_491 = arith.constant 0 : i32
      %ne3A_492 = arith.cmpi ne, %rem3A_490, %ne3A_491 : i32
      %lt3A_493 = arith.constant 0 : i32
      %lt3A_494 = arith.cmpi slt, %rem3A_490, %lt3A_493 : i32
      %lt3A_495 = arith.constant 0 : i32
      %lt3A_496 = arith.cmpi slt, %select_n3A_489, %lt3A_495 : i32
      %ne3A_497 = arith.xori %lt3A_494, %lt3A_496 : i1
      %and3A_498 = arith.andi %ne3A_497, %ne3A_492 : i1
      %add3A_499 = arith.addi %rem3A_490, %select_n3A_489 : i32
      %select_n3A_500 = arith.select %and3A_498, %add3A_499, %rem3A_490 : i32
      %iota3A_501 = tpu.iota {dimensions = array<i32: 0>} : vector<16xi32>
      %add3A_502 = arith.constant 0 : i32
      %add3A_503 = vector.broadcast %add3A_502 : i32 to vector<16xi32>
      %add3A_504 = arith.addi %iota3A_501, %add3A_503 : vector<16xi32>
      %broadcast_in_dim3A_505 = arith.constant 0 : i32
      %broadcast_in_dim3A_506 = vector.broadcast %broadcast_in_dim3A_505 : i32 to vector<16xi32>
      %add3A_507 = vector.broadcast %select_n3A_500 : i32 to vector<16xi32>
      %add3A_508 = arith.addi %broadcast_in_dim3A_506, %add3A_507 : vector<16xi32>
      %gather3A_509 = arith.constant 1 : i32
      %gather3A_510 = arith.constant 0 : i32
      %gather3A_511 = arith.constant 0 : i32
      %gather3A_512 = tpu.memref_slice %arg8[%gather3A_509, %gather3A_510, %gather3A_511] : memref<8x32x128xf32, #tpu.memory_space<vmem>> -> memref<1x32x128xf32, #tpu.memory_space<vmem>>
      %gather3A_513 = tpu.memref_squeeze %gather3A_512 : memref<1x32x128xf32, #tpu.memory_space<vmem>> -> memref<32x128xf32, #tpu.memory_space<vmem>>
      %gather3A_514 = tpu.vector_load_idx %gather3A_513[%add3A_504, %add3A_508] : memref<32x128xf32, #tpu.memory_space<vmem>>[vector<16xi32>, vector<16xi32>], vector<16xf32>,
      %swap3A_515 = arith.constant 32 : index
      %swap3A_516 = tpu.vector_load %arg9[%swap3A_515] {strides = array<i32>} : memref<256xf32, #tpu.memory_space<vmem>>, vector<16xf32>,
      tpu.vector_store %arg9[%swap3A_515], %gather3A_514 {strides = array<i32>} : memref<256xf32, #tpu.memory_space<vmem>>, vector<16xf32>,
      %iota3A_517 = tpu.iota {dimensions = array<i32: 0>} : vector<16xi32>
      %add3A_518 = arith.constant 16 : i32
      %add3A_519 = vector.broadcast %add3A_518 : i32 to vector<16xi32>
      %add3A_520 = arith.addi %iota3A_517, %add3A_519 : vector<16xi32>
      %broadcast_in_dim3A_521 = arith.constant 0 : i32
      %broadcast_in_dim3A_522 = vector.broadcast %broadcast_in_dim3A_521 : i32 to vector<16xi32>
      %add3A_523 = vector.broadcast %select_n3A_500 : i32 to vector<16xi32>
      %add3A_524 = arith.addi %broadcast_in_dim3A_522, %add3A_523 : vector<16xi32>
      %gather3A_525 = arith.constant 1 : i32
      %gather3A_526 = arith.constant 0 : i32
      %gather3A_527 = arith.constant 0 : i32
      %gather3A_528 = tpu.memref_slice %arg8[%gather3A_525, %gather3A_526, %gather3A_527] : memref<8x32x128xf32, #tpu.memory_space<vmem>> -> memref<1x32x128xf32, #tpu.memory_space<vmem>>
      %gather3A_529 = tpu.memref_squeeze %gather3A_528 : memref<1x32x128xf32, #tpu.memory_space<vmem>> -> memref<32x128xf32, #tpu.memory_space<vmem>>
      %gather3A_530 = tpu.vector_load_idx %gather3A_529[%add3A_520, %add3A_524] : memref<32x128xf32, #tpu.memory_space<vmem>>[vector<16xi32>, vector<16xi32>], vector<16xf32>,
      %swap3A_531 = arith.constant 48 : index
      %swap3A_532 = tpu.vector_load %arg9[%swap3A_531] {strides = array<i32>} : memref<256xf32, #tpu.memory_space<vmem>>, vector<16xf32>,
      tpu.vector_store %arg9[%swap3A_531], %gather3A_530 {strides = array<i32>} : memref<256xf32, #tpu.memory_space<vmem>>, vector<16xf32>,
      %slice3A_533 = vector.extract_strided_slice %get3A_9 {offsets = [2], sizes = [1], strides = [1]} : vector<16xi32> to vector<1xi32>
      %squeeze3A_534 = vector.extract %slice3A_533[0] : i32 from vector<1xi32>
      %jit3A_535 = arith.constant 128 : i32
      %eq3A_536 = arith.constant 0 : i32
      %eq3A_537 = arith.cmpi eq, %jit3A_535, %eq3A_536 : i32
      %jit3A_538 = arith.constant 1 : i32
      %select_n3A_539 = arith.select %eq3A_537, %jit3A_538, %jit3A_535 : i32
      %rem3A_540 = arith.remsi %squeeze3A_534, %select_n3A_539 : i32
      %ne3A_541 = arith.constant 0 : i32
      %ne3A_542 = arith.cmpi ne, %rem3A_540, %ne3A_541 : i32
      %lt3A_543 = arith.constant 0 : i32
      %lt3A_544 = arith.cmpi slt, %rem3A_540, %lt3A_543 : i32
      %lt3A_545 = arith.constant 0 : i32
      %lt3A_546 = arith.cmpi slt, %select_n3A_539, %lt3A_545 : i32
      %ne3A_547 = arith.xori %lt3A_544, %lt3A_546 : i1
      %and3A_548 = arith.andi %ne3A_547, %ne3A_542 : i1
      %add3A_549 = arith.addi %rem3A_540, %select_n3A_539 : i32
      %select_n3A_550 = arith.select %and3A_548, %add3A_549, %rem3A_540 : i32
      %iota3A_551 = tpu.iota {dimensions = array<i32: 0>} : vector<16xi32>
      %add3A_552 = arith.constant 0 : i32
      %add3A_553 = vector.broadcast %add3A_552 : i32 to vector<16xi32>
      %add3A_554 = arith.addi %iota3A_551, %add3A_553 : vector<16xi32>
      %broadcast_in_dim3A_555 = arith.constant 0 : i32
      %broadcast_in_dim3A_556 = vector.broadcast %broadcast_in_dim3A_555 : i32 to vector<16xi32>
      %add3A_557 = vector.broadcast %select_n3A_550 : i32 to vector<16xi32>
      %add3A_558 = arith.addi %broadcast_in_dim3A_556, %add3A_557 : vector<16xi32>
      %gather3A_559 = arith.constant 2 : i32
      %gather3A_560 = arith.constant 0 : i32
      %gather3A_561 = arith.constant 0 : i32
      %gather3A_562 = tpu.memref_slice %arg8[%gather3A_559, %gather3A_560, %gather3A_561] : memref<8x32x128xf32, #tpu.memory_space<vmem>> -> memref<1x32x128xf32, #tpu.memory_space<vmem>>
      %gather3A_563 = tpu.memref_squeeze %gather3A_562 : memref<1x32x128xf32, #tpu.memory_space<vmem>> -> memref<32x128xf32, #tpu.memory_space<vmem>>
      %gather3A_564 = tpu.vector_load_idx %gather3A_563[%add3A_554, %add3A_558] : memref<32x128xf32, #tpu.memory_space<vmem>>[vector<16xi32>, vector<16xi32>], vector<16xf32>,
      %swap3A_565 = arith.constant 64 : index
      %swap3A_566 = tpu.vector_load %arg9[%swap3A_565] {strides = array<i32>} : memref<256xf32, #tpu.memory_space<vmem>>, vector<16xf32>,
      tpu.vector_store %arg9[%swap3A_565], %gather3A_564 {strides = array<i32>} : memref<256xf32, #tpu.memory_space<vmem>>, vector<16xf32>,
      %iota3A_567 = tpu.iota {dimensions = array<i32: 0>} : vector<16xi32>
      %add3A_568 = arith.constant 16 : i32
      %add3A_569 = vector.broadcast %add3A_568 : i32 to vector<16xi32>
      %add3A_570 = arith.addi %iota3A_567, %add3A_569 : vector<16xi32>
      %broadcast_in_dim3A_571 = arith.constant 0 : i32
      %broadcast_in_dim3A_572 = vector.broadcast %broadcast_in_dim3A_571 : i32 to vector<16xi32>
      %add3A_573 = vector.broadcast %select_n3A_550 : i32 to vector<16xi32>
      %add3A_574 = arith.addi %broadcast_in_dim3A_572, %add3A_573 : vector<16xi32>
      %gather3A_575 = arith.constant 2 : i32
      %gather3A_576 = arith.constant 0 : i32
      %gather3A_577 = arith.constant 0 : i32
      %gather3A_578 = tpu.memref_slice %arg8[%gather3A_575, %gather3A_576, %gather3A_577] : memref<8x32x128xf32, #tpu.memory_space<vmem>> -> memref<1x32x128xf32, #tpu.memory_space<vmem>>
      %gather3A_579 = tpu.memref_squeeze %gather3A_578 : memref<1x32x128xf32, #tpu.memory_space<vmem>> -> memref<32x128xf32, #tpu.memory_space<vmem>>
      %gather3A_580 = tpu.vector_load_idx %gather3A_579[%add3A_570, %add3A_574] : memref<32x128xf32, #tpu.memory_space<vmem>>[vector<16xi32>, vector<16xi32>], vector<16xf32>,
      %swap3A_581 = arith.constant 80 : index
      %swap3A_582 = tpu.vector_load %arg9[%swap3A_581] {strides = array<i32>} : memref<256xf32, #tpu.memory_space<vmem>>, vector<16xf32>,
      tpu.vector_store %arg9[%swap3A_581], %gather3A_580 {strides = array<i32>} : memref<256xf32, #tpu.memory_space<vmem>>, vector<16xf32>,
      %slice3A_583 = vector.extract_strided_slice %get3A_9 {offsets = [3], sizes = [1], strides = [1]} : vector<16xi32> to vector<1xi32>
      %squeeze3A_584 = vector.extract %slice3A_583[0] : i32 from vector<1xi32>
      %jit3A_585 = arith.constant 128 : i32
      %eq3A_586 = arith.constant 0 : i32
      %eq3A_587 = arith.cmpi eq, %jit3A_585, %eq3A_586 : i32
      %jit3A_588 = arith.constant 1 : i32
      %select_n3A_589 = arith.select %eq3A_587, %jit3A_588, %jit3A_585 : i32
      %rem3A_590 = arith.remsi %squeeze3A_584, %select_n3A_589 : i32
      %ne3A_591 = arith.constant 0 : i32
      %ne3A_592 = arith.cmpi ne, %rem3A_590, %ne3A_591 : i32
      %lt3A_593 = arith.constant 0 : i32
      %lt3A_594 = arith.cmpi slt, %rem3A_590, %lt3A_593 : i32
      %lt3A_595 = arith.constant 0 : i32
      %lt3A_596 = arith.cmpi slt, %select_n3A_589, %lt3A_595 : i32
      %ne3A_597 = arith.xori %lt3A_594, %lt3A_596 : i1
      %and3A_598 = arith.andi %ne3A_597, %ne3A_592 : i1
      %add3A_599 = arith.addi %rem3A_590, %select_n3A_589 : i32
      %select_n3A_600 = arith.select %and3A_598, %add3A_599, %rem3A_590 : i32
      %iota3A_601 = tpu.iota {dimensions = array<i32: 0>} : vector<16xi32>
      %add3A_602 = arith.constant 0 : i32
      %add3A_603 = vector.broadcast %add3A_602 : i32 to vector<16xi32>
      %add3A_604 = arith.addi %iota3A_601, %add3A_603 : vector<16xi32>
      %broadcast_in_dim3A_605 = arith.constant 0 : i32
      %broadcast_in_dim3A_606 = vector.broadcast %broadcast_in_dim3A_605 : i32 to vector<16xi32>
      %add3A_607 = vector.broadcast %select_n3A_600 : i32 to vector<16xi32>
      %add3A_608 = arith.addi %broadcast_in_dim3A_606, %add3A_607 : vector<16xi32>
      %gather3A_609 = arith.constant 3 : i32
      %gather3A_610 = arith.constant 0 : i32
      %gather3A_611 = arith.constant 0 : i32
      %gather3A_612 = tpu.memref_slice %arg8[%gather3A_609, %gather3A_610, %gather3A_611] : memref<8x32x128xf32, #tpu.memory_space<vmem>> -> memref<1x32x128xf32, #tpu.memory_space<vmem>>
      %gather3A_613 = tpu.memref_squeeze %gather3A_612 : memref<1x32x128xf32, #tpu.memory_space<vmem>> -> memref<32x128xf32, #tpu.memory_space<vmem>>
      %gather3A_614 = tpu.vector_load_idx %gather3A_613[%add3A_604, %add3A_608] : memref<32x128xf32, #tpu.memory_space<vmem>>[vector<16xi32>, vector<16xi32>], vector<16xf32>,
      %swap3A_615 = arith.constant 96 : index
      %swap3A_616 = tpu.vector_load %arg9[%swap3A_615] {strides = array<i32>} : memref<256xf32, #tpu.memory_space<vmem>>, vector<16xf32>,
      tpu.vector_store %arg9[%swap3A_615], %gather3A_614 {strides = array<i32>} : memref<256xf32, #tpu.memory_space<vmem>>, vector<16xf32>,
      %iota3A_617 = tpu.iota {dimensions = array<i32: 0>} : vector<16xi32>
      %add3A_618 = arith.constant 16 : i32
      %add3A_619 = vector.broadcast %add3A_618 : i32 to vector<16xi32>
      %add3A_620 = arith.addi %iota3A_617, %add3A_619 : vector<16xi32>
      %broadcast_in_dim3A_621 = arith.constant 0 : i32
      %broadcast_in_dim3A_622 = vector.broadcast %broadcast_in_dim3A_621 : i32 to vector<16xi32>
      %add3A_623 = vector.broadcast %select_n3A_600 : i32 to vector<16xi32>
      %add3A_624 = arith.addi %broadcast_in_dim3A_622, %add3A_623 : vector<16xi32>
      %gather3A_625 = arith.constant 3 : i32
      %gather3A_626 = arith.constant 0 : i32
      %gather3A_627 = arith.constant 0 : i32
      %gather3A_628 = tpu.memref_slice %arg8[%gather3A_625, %gather3A_626, %gather3A_627] : memref<8x32x128xf32, #tpu.memory_space<vmem>> -> memref<1x32x128xf32, #tpu.memory_space<vmem>>
      %gather3A_629 = tpu.memref_squeeze %gather3A_628 : memref<1x32x128xf32, #tpu.memory_space<vmem>> -> memref<32x128xf32, #tpu.memory_space<vmem>>
      %gather3A_630 = tpu.vector_load_idx %gather3A_629[%add3A_620, %add3A_624] : memref<32x128xf32, #tpu.memory_space<vmem>>[vector<16xi32>, vector<16xi32>], vector<16xf32>,
      %swap3A_631 = arith.constant 112 : index
      %swap3A_632 = tpu.vector_load %arg9[%swap3A_631] {strides = array<i32>} : memref<256xf32, #tpu.memory_space<vmem>>, vector<16xf32>,
      tpu.vector_store %arg9[%swap3A_631], %gather3A_630 {strides = array<i32>} : memref<256xf32, #tpu.memory_space<vmem>>, vector<16xf32>,
      %slice3A_633 = vector.extract_strided_slice %get3A_9 {offsets = [4], sizes = [1], strides = [1]} : vector<16xi32> to vector<1xi32>
      %squeeze3A_634 = vector.extract %slice3A_633[0] : i32 from vector<1xi32>
      %jit3A_635 = arith.constant 128 : i32
      %eq3A_636 = arith.constant 0 : i32
      %eq3A_637 = arith.cmpi eq, %jit3A_635, %eq3A_636 : i32
      %jit3A_638 = arith.constant 1 : i32
      %select_n3A_639 = arith.select %eq3A_637, %jit3A_638, %jit3A_635 : i32
      %rem3A_640 = arith.remsi %squeeze3A_634, %select_n3A_639 : i32
      %ne3A_641 = arith.constant 0 : i32
      %ne3A_642 = arith.cmpi ne, %rem3A_640, %ne3A_641 : i32
      %lt3A_643 = arith.constant 0 : i32
      %lt3A_644 = arith.cmpi slt, %rem3A_640, %lt3A_643 : i32
      %lt3A_645 = arith.constant 0 : i32
      %lt3A_646 = arith.cmpi slt, %select_n3A_639, %lt3A_645 : i32
      %ne3A_647 = arith.xori %lt3A_644, %lt3A_646 : i1
      %and3A_648 = arith.andi %ne3A_647, %ne3A_642 : i1
      %add3A_649 = arith.addi %rem3A_640, %select_n3A_639 : i32
      %select_n3A_650 = arith.select %and3A_648, %add3A_649, %rem3A_640 : i32
      %iota3A_651 = tpu.iota {dimensions = array<i32: 0>} : vector<16xi32>
      %add3A_652 = arith.constant 0 : i32
      %add3A_653 = vector.broadcast %add3A_652 : i32 to vector<16xi32>
      %add3A_654 = arith.addi %iota3A_651, %add3A_653 : vector<16xi32>
      %broadcast_in_dim3A_655 = arith.constant 0 : i32
      %broadcast_in_dim3A_656 = vector.broadcast %broadcast_in_dim3A_655 : i32 to vector<16xi32>
      %add3A_657 = vector.broadcast %select_n3A_650 : i32 to vector<16xi32>
      %add3A_658 = arith.addi %broadcast_in_dim3A_656, %add3A_657 : vector<16xi32>
      %gather3A_659 = arith.constant 4 : i32
      %gather3A_660 = arith.constant 0 : i32
      %gather3A_661 = arith.constant 0 : i32
      %gather3A_662 = tpu.memref_slice %arg8[%gather3A_659, %gather3A_660, %gather3A_661] : memref<8x32x128xf32, #tpu.memory_space<vmem>> -> memref<1x32x128xf32, #tpu.memory_space<vmem>>
      %gather3A_663 = tpu.memref_squeeze %gather3A_662 : memref<1x32x128xf32, #tpu.memory_space<vmem>> -> memref<32x128xf32, #tpu.memory_space<vmem>>
      %gather3A_664 = tpu.vector_load_idx %gather3A_663[%add3A_654, %add3A_658] : memref<32x128xf32, #tpu.memory_space<vmem>>[vector<16xi32>, vector<16xi32>], vector<16xf32>,
      %swap3A_665 = arith.constant 128 : index
      %swap3A_666 = tpu.vector_load %arg9[%swap3A_665] {strides = array<i32>} : memref<256xf32, #tpu.memory_space<vmem>>, vector<16xf32>,
      tpu.vector_store %arg9[%swap3A_665], %gather3A_664 {strides = array<i32>} : memref<256xf32, #tpu.memory_space<vmem>>, vector<16xf32>,
      %iota3A_667 = tpu.iota {dimensions = array<i32: 0>} : vector<16xi32>
      %add3A_668 = arith.constant 16 : i32
      %add3A_669 = vector.broadcast %add3A_668 : i32 to vector<16xi32>
      %add3A_670 = arith.addi %iota3A_667, %add3A_669 : vector<16xi32>
      %broadcast_in_dim3A_671 = arith.constant 0 : i32
      %broadcast_in_dim3A_672 = vector.broadcast %broadcast_in_dim3A_671 : i32 to vector<16xi32>
      %add3A_673 = vector.broadcast %select_n3A_650 : i32 to vector<16xi32>
      %add3A_674 = arith.addi %broadcast_in_dim3A_672, %add3A_673 : vector<16xi32>
      %gather3A_675 = arith.constant 4 : i32
      %gather3A_676 = arith.constant 0 : i32
      %gather3A_677 = arith.constant 0 : i32
      %gather3A_678 = tpu.memref_slice %arg8[%gather3A_675, %gather3A_676, %gather3A_677] : memref<8x32x128xf32, #tpu.memory_space<vmem>> -> memref<1x32x128xf32, #tpu.memory_space<vmem>>
      %gather3A_679 = tpu.memref_squeeze %gather3A_678 : memref<1x32x128xf32, #tpu.memory_space<vmem>> -> memref<32x128xf32, #tpu.memory_space<vmem>>
      %gather3A_680 = tpu.vector_load_idx %gather3A_679[%add3A_670, %add3A_674] : memref<32x128xf32, #tpu.memory_space<vmem>>[vector<16xi32>, vector<16xi32>], vector<16xf32>,
      %swap3A_681 = arith.constant 144 : index
      %swap3A_682 = tpu.vector_load %arg9[%swap3A_681] {strides = array<i32>} : memref<256xf32, #tpu.memory_space<vmem>>, vector<16xf32>,
      tpu.vector_store %arg9[%swap3A_681], %gather3A_680 {strides = array<i32>} : memref<256xf32, #tpu.memory_space<vmem>>, vector<16xf32>,
      %slice3A_683 = vector.extract_strided_slice %get3A_9 {offsets = [5], sizes = [1], strides = [1]} : vector<16xi32> to vector<1xi32>
      %squeeze3A_684 = vector.extract %slice3A_683[0] : i32 from vector<1xi32>
      %jit3A_685 = arith.constant 128 : i32
      %eq3A_686 = arith.constant 0 : i32
      %eq3A_687 = arith.cmpi eq, %jit3A_685, %eq3A_686 : i32
      %jit3A_688 = arith.constant 1 : i32
      %select_n3A_689 = arith.select %eq3A_687, %jit3A_688, %jit3A_685 : i32
      %rem3A_690 = arith.remsi %squeeze3A_684, %select_n3A_689 : i32
      %ne3A_691 = arith.constant 0 : i32
      %ne3A_692 = arith.cmpi ne, %rem3A_690, %ne3A_691 : i32
      %lt3A_693 = arith.constant 0 : i32
      %lt3A_694 = arith.cmpi slt, %rem3A_690, %lt3A_693 : i32
      %lt3A_695 = arith.constant 0 : i32
      %lt3A_696 = arith.cmpi slt, %select_n3A_689, %lt3A_695 : i32
      %ne3A_697 = arith.xori %lt3A_694, %lt3A_696 : i1
      %and3A_698 = arith.andi %ne3A_697, %ne3A_692 : i1
      %add3A_699 = arith.addi %rem3A_690, %select_n3A_689 : i32
      %select_n3A_700 = arith.select %and3A_698, %add3A_699, %rem3A_690 : i32
      %iota3A_701 = tpu.iota {dimensions = array<i32: 0>} : vector<16xi32>
      %add3A_702 = arith.constant 0 : i32
      %add3A_703 = vector.broadcast %add3A_702 : i32 to vector<16xi32>
      %add3A_704 = arith.addi %iota3A_701, %add3A_703 : vector<16xi32>
      %broadcast_in_dim3A_705 = arith.constant 0 : i32
      %broadcast_in_dim3A_706 = vector.broadcast %broadcast_in_dim3A_705 : i32 to vector<16xi32>
      %add3A_707 = vector.broadcast %select_n3A_700 : i32 to vector<16xi32>
      %add3A_708 = arith.addi %broadcast_in_dim3A_706, %add3A_707 : vector<16xi32>
      %gather3A_709 = arith.constant 5 : i32
      %gather3A_710 = arith.constant 0 : i32
      %gather3A_711 = arith.constant 0 : i32
      %gather3A_712 = tpu.memref_slice %arg8[%gather3A_709, %gather3A_710, %gather3A_711] : memref<8x32x128xf32, #tpu.memory_space<vmem>> -> memref<1x32x128xf32, #tpu.memory_space<vmem>>
      %gather3A_713 = tpu.memref_squeeze %gather3A_712 : memref<1x32x128xf32, #tpu.memory_space<vmem>> -> memref<32x128xf32, #tpu.memory_space<vmem>>
      %gather3A_714 = tpu.vector_load_idx %gather3A_713[%add3A_704, %add3A_708] : memref<32x128xf32, #tpu.memory_space<vmem>>[vector<16xi32>, vector<16xi32>], vector<16xf32>,
      %swap3A_715 = arith.constant 160 : index
      %swap3A_716 = tpu.vector_load %arg9[%swap3A_715] {strides = array<i32>} : memref<256xf32, #tpu.memory_space<vmem>>, vector<16xf32>,
      tpu.vector_store %arg9[%swap3A_715], %gather3A_714 {strides = array<i32>} : memref<256xf32, #tpu.memory_space<vmem>>, vector<16xf32>,
      %iota3A_717 = tpu.iota {dimensions = array<i32: 0>} : vector<16xi32>
      %add3A_718 = arith.constant 16 : i32
      %add3A_719 = vector.broadcast %add3A_718 : i32 to vector<16xi32>
      %add3A_720 = arith.addi %iota3A_717, %add3A_719 : vector<16xi32>
      %broadcast_in_dim3A_721 = arith.constant 0 : i32
      %broadcast_in_dim3A_722 = vector.broadcast %broadcast_in_dim3A_721 : i32 to vector<16xi32>
      %add3A_723 = vector.broadcast %select_n3A_700 : i32 to vector<16xi32>
      %add3A_724 = arith.addi %broadcast_in_dim3A_722, %add3A_723 : vector<16xi32>
      %gather3A_725 = arith.constant 5 : i32
      %gather3A_726 = arith.constant 0 : i32
      %gather3A_727 = arith.constant 0 : i32
      %gather3A_728 = tpu.memref_slice %arg8[%gather3A_725, %gather3A_726, %gather3A_727] : memref<8x32x128xf32, #tpu.memory_space<vmem>> -> memref<1x32x128xf32, #tpu.memory_space<vmem>>
      %gather3A_729 = tpu.memref_squeeze %gather3A_728 : memref<1x32x128xf32, #tpu.memory_space<vmem>> -> memref<32x128xf32, #tpu.memory_space<vmem>>
      %gather3A_730 = tpu.vector_load_idx %gather3A_729[%add3A_720, %add3A_724] : memref<32x128xf32, #tpu.memory_space<vmem>>[vector<16xi32>, vector<16xi32>], vector<16xf32>,
      %swap3A_731 = arith.constant 176 : index
      %swap3A_732 = tpu.vector_load %arg9[%swap3A_731] {strides = array<i32>} : memref<256xf32, #tpu.memory_space<vmem>>, vector<16xf32>,
      tpu.vector_store %arg9[%swap3A_731], %gather3A_730 {strides = array<i32>} : memref<256xf32, #tpu.memory_space<vmem>>, vector<16xf32>,
      %slice3A_733 = vector.extract_strided_slice %get3A_9 {offsets = [6], sizes = [1], strides = [1]} : vector<16xi32> to vector<1xi32>
      %squeeze3A_734 = vector.extract %slice3A_733[0] : i32 from vector<1xi32>
      %jit3A_735 = arith.constant 128 : i32
      %eq3A_736 = arith.constant 0 : i32
      %eq3A_737 = arith.cmpi eq, %jit3A_735, %eq3A_736 : i32
      %jit3A_738 = arith.constant 1 : i32
      %select_n3A_739 = arith.select %eq3A_737, %jit3A_738, %jit3A_735 : i32
      %rem3A_740 = arith.remsi %squeeze3A_734, %select_n3A_739 : i32
      %ne3A_741 = arith.constant 0 : i32
      %ne3A_742 = arith.cmpi ne, %rem3A_740, %ne3A_741 : i32
      %lt3A_743 = arith.constant 0 : i32
      %lt3A_744 = arith.cmpi slt, %rem3A_740, %lt3A_743 : i32
      %lt3A_745 = arith.constant 0 : i32
      %lt3A_746 = arith.cmpi slt, %select_n3A_739, %lt3A_745 : i32
      %ne3A_747 = arith.xori %lt3A_744, %lt3A_746 : i1
      %and3A_748 = arith.andi %ne3A_747, %ne3A_742 : i1
      %add3A_749 = arith.addi %rem3A_740, %select_n3A_739 : i32
      %select_n3A_750 = arith.select %and3A_748, %add3A_749, %rem3A_740 : i32
      %iota3A_751 = tpu.iota {dimensions = array<i32: 0>} : vector<16xi32>
      %add3A_752 = arith.constant 0 : i32
      %add3A_753 = vector.broadcast %add3A_752 : i32 to vector<16xi32>
      %add3A_754 = arith.addi %iota3A_751, %add3A_753 : vector<16xi32>
      %broadcast_in_dim3A_755 = arith.constant 0 : i32
      %broadcast_in_dim3A_756 = vector.broadcast %broadcast_in_dim3A_755 : i32 to vector<16xi32>
      %add3A_757 = vector.broadcast %select_n3A_750 : i32 to vector<16xi32>
      %add3A_758 = arith.addi %broadcast_in_dim3A_756, %add3A_757 : vector<16xi32>
      %gather3A_759 = arith.constant 6 : i32
      %gather3A_760 = arith.constant 0 : i32
      %gather3A_761 = arith.constant 0 : i32
      %gather3A_762 = tpu.memref_slice %arg8[%gather3A_759, %gather3A_760, %gather3A_761] : memref<8x32x128xf32, #tpu.memory_space<vmem>> -> memref<1x32x128xf32, #tpu.memory_space<vmem>>
      %gather3A_763 = tpu.memref_squeeze %gather3A_762 : memref<1x32x128xf32, #tpu.memory_space<vmem>> -> memref<32x128xf32, #tpu.memory_space<vmem>>
      %gather3A_764 = tpu.vector_load_idx %gather3A_763[%add3A_754, %add3A_758] : memref<32x128xf32, #tpu.memory_space<vmem>>[vector<16xi32>, vector<16xi32>], vector<16xf32>,
      %swap3A_765 = arith.constant 192 : index
      %swap3A_766 = tpu.vector_load %arg9[%swap3A_765] {strides = array<i32>} : memref<256xf32, #tpu.memory_space<vmem>>, vector<16xf32>,
      tpu.vector_store %arg9[%swap3A_765], %gather3A_764 {strides = array<i32>} : memref<256xf32, #tpu.memory_space<vmem>>, vector<16xf32>,
      %iota3A_767 = tpu.iota {dimensions = array<i32: 0>} : vector<16xi32>
      %add3A_768 = arith.constant 16 : i32
      %add3A_769 = vector.broadcast %add3A_768 : i32 to vector<16xi32>
      %add3A_770 = arith.addi %iota3A_767, %add3A_769 : vector<16xi32>
      %broadcast_in_dim3A_771 = arith.constant 0 : i32
      %broadcast_in_dim3A_772 = vector.broadcast %broadcast_in_dim3A_771 : i32 to vector<16xi32>
      %add3A_773 = vector.broadcast %select_n3A_750 : i32 to vector<16xi32>
      %add3A_774 = arith.addi %broadcast_in_dim3A_772, %add3A_773 : vector<16xi32>
      %gather3A_775 = arith.constant 6 : i32
      %gather3A_776 = arith.constant 0 : i32
      %gather3A_777 = arith.constant 0 : i32
      %gather3A_778 = tpu.memref_slice %arg8[%gather3A_775, %gather3A_776, %gather3A_777] : memref<8x32x128xf32, #tpu.memory_space<vmem>> -> memref<1x32x128xf32, #tpu.memory_space<vmem>>
      %gather3A_779 = tpu.memref_squeeze %gather3A_778 : memref<1x32x128xf32, #tpu.memory_space<vmem>> -> memref<32x128xf32, #tpu.memory_space<vmem>>
      %gather3A_780 = tpu.vector_load_idx %gather3A_779[%add3A_770, %add3A_774] : memref<32x128xf32, #tpu.memory_space<vmem>>[vector<16xi32>, vector<16xi32>], vector<16xf32>,
      %swap3A_781 = arith.constant 208 : index
      %swap3A_782 = tpu.vector_load %arg9[%swap3A_781] {strides = array<i32>} : memref<256xf32, #tpu.memory_space<vmem>>, vector<16xf32>,
      tpu.vector_store %arg9[%swap3A_781], %gather3A_780 {strides = array<i32>} : memref<256xf32, #tpu.memory_space<vmem>>, vector<16xf32>,
      %slice3A_783 = vector.extract_strided_slice %get3A_9 {offsets = [7], sizes = [1], strides = [1]} : vector<16xi32> to vector<1xi32>
      %squeeze3A_784 = vector.extract %slice3A_783[0] : i32 from vector<1xi32>
      %jit3A_785 = arith.constant 128 : i32
      %eq3A_786 = arith.constant 0 : i32
      %eq3A_787 = arith.cmpi eq, %jit3A_785, %eq3A_786 : i32
      %jit3A_788 = arith.constant 1 : i32
      %select_n3A_789 = arith.select %eq3A_787, %jit3A_788, %jit3A_785 : i32
      %rem3A_790 = arith.remsi %squeeze3A_784, %select_n3A_789 : i32
      %ne3A_791 = arith.constant 0 : i32
      %ne3A_792 = arith.cmpi ne, %rem3A_790, %ne3A_791 : i32
      %lt3A_793 = arith.constant 0 : i32
      %lt3A_794 = arith.cmpi slt, %rem3A_790, %lt3A_793 : i32
      %lt3A_795 = arith.constant 0 : i32
      %lt3A_796 = arith.cmpi slt, %select_n3A_789, %lt3A_795 : i32
      %ne3A_797 = arith.xori %lt3A_794, %lt3A_796 : i1
      %and3A_798 = arith.andi %ne3A_797, %ne3A_792 : i1
      %add3A_799 = arith.addi %rem3A_790, %select_n3A_789 : i32
      %select_n3A_800 = arith.select %and3A_798, %add3A_799, %rem3A_790 : i32
      %iota3A_801 = tpu.iota {dimensions = array<i32: 0>} : vector<16xi32>
      %add3A_802 = arith.constant 0 : i32
      %add3A_803 = vector.broadcast %add3A_802 : i32 to vector<16xi32>
      %add3A_804 = arith.addi %iota3A_801, %add3A_803 : vector<16xi32>
      %broadcast_in_dim3A_805 = arith.constant 0 : i32
      %broadcast_in_dim3A_806 = vector.broadcast %broadcast_in_dim3A_805 : i32 to vector<16xi32>
      %add3A_807 = vector.broadcast %select_n3A_800 : i32 to vector<16xi32>
      %add3A_808 = arith.addi %broadcast_in_dim3A_806, %add3A_807 : vector<16xi32>
      %gather3A_809 = arith.constant 7 : i32
      %gather3A_810 = arith.constant 0 : i32
      %gather3A_811 = arith.constant 0 : i32
      %gather3A_812 = tpu.memref_slice %arg8[%gather3A_809, %gather3A_810, %gather3A_811] : memref<8x32x128xf32, #tpu.memory_space<vmem>> -> memref<1x32x128xf32, #tpu.memory_space<vmem>>
      %gather3A_813 = tpu.memref_squeeze %gather3A_812 : memref<1x32x128xf32, #tpu.memory_space<vmem>> -> memref<32x128xf32, #tpu.memory_space<vmem>>
      %gather3A_814 = tpu.vector_load_idx %gather3A_813[%add3A_804, %add3A_808] : memref<32x128xf32, #tpu.memory_space<vmem>>[vector<16xi32>, vector<16xi32>], vector<16xf32>,
      %swap3A_815 = arith.constant 224 : index
      %swap3A_816 = tpu.vector_load %arg9[%swap3A_815] {strides = array<i32>} : memref<256xf32, #tpu.memory_space<vmem>>, vector<16xf32>,
      tpu.vector_store %arg9[%swap3A_815], %gather3A_814 {strides = array<i32>} : memref<256xf32, #tpu.memory_space<vmem>>, vector<16xf32>,
      %iota3A_817 = tpu.iota {dimensions = array<i32: 0>} : vector<16xi32>
      %add3A_818 = arith.constant 16 : i32
      %add3A_819 = vector.broadcast %add3A_818 : i32 to vector<16xi32>
      %add3A_820 = arith.addi %iota3A_817, %add3A_819 : vector<16xi32>
      %broadcast_in_dim3A_821 = arith.constant 0 : i32
      %broadcast_in_dim3A_822 = vector.broadcast %broadcast_in_dim3A_821 : i32 to vector<16xi32>
      %add3A_823 = vector.broadcast %select_n3A_800 : i32 to vector<16xi32>
      %add3A_824 = arith.addi %broadcast_in_dim3A_822, %add3A_823 : vector<16xi32>
      %gather3A_825 = arith.constant 7 : i32
      %gather3A_826 = arith.constant 0 : i32
      %gather3A_827 = arith.constant 0 : i32
      %gather3A_828 = tpu.memref_slice %arg8[%gather3A_825, %gather3A_826, %gather3A_827] : memref<8x32x128xf32, #tpu.memory_space<vmem>> -> memref<1x32x128xf32, #tpu.memory_space<vmem>>
      %gather3A_829 = tpu.memref_squeeze %gather3A_828 : memref<1x32x128xf32, #tpu.memory_space<vmem>> -> memref<32x128xf32, #tpu.memory_space<vmem>>
      %gather3A_830 = tpu.vector_load_idx %gather3A_829[%add3A_820, %add3A_824] : memref<32x128xf32, #tpu.memory_space<vmem>>[vector<16xi32>, vector<16xi32>], vector<16xf32>,
      %swap3A_831 = arith.constant 240 : index
      %swap3A_832 = tpu.vector_load %arg9[%swap3A_831] {strides = array<i32>} : memref<256xf32, #tpu.memory_space<vmem>>, vector<16xf32>,
      tpu.vector_store %arg9[%swap3A_831], %gather3A_830 {strides = array<i32>} : memref<256xf32, #tpu.memory_space<vmem>>, vector<16xf32>,
      %mul3A_833 = arith.constant 32 : i32
      %mul3A_834 = arith.muli %mul3A_8, %mul3A_833 : i32
      %add3A_835 = arith.constant 32 : i32
      %add3A_836 = arith.addi %add3A_835, %mul3A_834 : i32
      "tpu.region"() ({
        %run_scoped3A = tpu.sem_alloc : memref<!tpu.dma_semaphore, #tpu.memory_space<semaphore_mem>>
        %dma_start3A_837 = tpu.memref_slice %arg6[%add3A_836] : memref<6432xf32, #tpu.memory_space<hbm>> -> memref<256xf32, #tpu.memory_space<hbm>>
        %dma_start3A_838 = tpu.memref_slice %arg6[%add3A_836] : memref<6432xf32, #tpu.memory_space<hbm>> -> memref<256xf32, #tpu.memory_space<hbm>>
        tpu.enqueue_dma source(%arg9 : memref<256xf32, #tpu.memory_space<vmem>>) target(%dma_start3A_838 : memref<256xf32, #tpu.memory_space<hbm>>) target_semaphore(%run_scoped3A : memref<!tpu.dma_semaphore, #tpu.memory_space<semaphore_mem>>)
        %dma_wait3A_839 = tpu.memref_slice %arg6[%add3A_836] : memref<6432xf32, #tpu.memory_space<hbm>> -> memref<256xf32, #tpu.memory_space<hbm>>
        %dma_wait3A_840 = tpu.memref_slice %arg6[%add3A_836] : memref<6432xf32, #tpu.memory_space<hbm>> -> memref<256xf32, #tpu.memory_space<hbm>>
        tpu.wait_dma2 semaphore(%run_scoped3A : memref<!tpu.dma_semaphore, #tpu.memory_space<semaphore_mem>>) src(%arg9 : memref<256xf32, #tpu.memory_space<vmem>>) dst(%dma_wait3A_840 : memref<256xf32, #tpu.memory_space<hbm>>)
        tpu.yield
      }) : () -> ()
    } else {
    }
    %eq3A = arith.constant 25 : i32
    %eq3A_3 = arith.cmpi eq, %add3A, %eq3A : i32
    %convert_element_type3A_4 = arith.extui %eq3A_3 : i1 to i32
    %cond3A_5 = arith.constant 0 : i32
    %cond3A_6 = arith.cmpi ne, %convert_element_type3A_4, %cond3A_5 : i32
    scf.if %cond3A_6 {
      "tpu.region"() ({
        %run_scoped3A = tpu.sem_alloc : memref<!tpu.dma_semaphore, #tpu.memory_space<semaphore_mem>>
        %dma_start3A_94 = arith.constant 0 : i32
        %dma_start3A_95 = tpu.memref_slice %arg7[%dma_start3A_94] : memref<16xi32, #tpu.memory_space<vmem>> -> memref<1xi32, #tpu.memory_space<vmem>>
        %dma_start3A_96 = arith.constant 0 : i32
        %dma_start3A_97 = tpu.memref_slice %arg7[%dma_start3A_96] : memref<16xi32, #tpu.memory_space<vmem>> -> memref<1xi32, #tpu.memory_space<vmem>>
        tpu.enqueue_dma source(%arg2 : memref<1xi32, #tpu.memory_space<hbm>>) target(%dma_start3A_97 : memref<1xi32, #tpu.memory_space<vmem>>) target_semaphore(%run_scoped3A : memref<!tpu.dma_semaphore, #tpu.memory_space<semaphore_mem>>)
        %dma_wait3A_98 = arith.constant 0 : i32
        %dma_wait3A_99 = tpu.memref_slice %arg7[%dma_wait3A_98] : memref<16xi32, #tpu.memory_space<vmem>> -> memref<1xi32, #tpu.memory_space<vmem>>
        %dma_wait3A_100 = arith.constant 0 : i32
        %dma_wait3A_101 = tpu.memref_slice %arg7[%dma_wait3A_100] : memref<16xi32, #tpu.memory_space<vmem>> -> memref<1xi32, #tpu.memory_space<vmem>>
        tpu.wait_dma2 semaphore(%run_scoped3A : memref<!tpu.dma_semaphore, #tpu.memory_space<semaphore_mem>>) src(%arg2 : memref<1xi32, #tpu.memory_space<hbm>>) dst(%dma_wait3A_101 : memref<1xi32, #tpu.memory_space<vmem>>)
        tpu.yield
      }) : () -> ()
      %get3A = arith.constant 0 : index
      %get3A_7 = tpu.vector_load %arg7[%get3A] {strides = array<i32>} : memref<16xi32, #tpu.memory_space<vmem>>, vector<16xi32>,
      %slice3A = vector.extract_strided_slice %get3A_7 {offsets = [0], sizes = [1], strides = [1]} : vector<16xi32> to vector<1xi32>
      %squeeze3A = vector.extract %slice3A[0] : i32 from vector<1xi32>
      %jit3A = arith.constant 128 : i32
      %div3A = arith.divsi %squeeze3A, %jit3A : i32
      %sign3A = arith.constant 0 : i32
      %sign3A_8 = arith.cmpi sgt, %squeeze3A, %sign3A : i32
      %sign3A_9 = arith.extui %sign3A_8 : i1 to i32
      %sign3A_10 = arith.constant 0 : i32
      %sign3A_11 = arith.cmpi slt, %squeeze3A, %sign3A_10 : i32
      %sign3A_12 = arith.extui %sign3A_11 : i1 to i32
      %sign3A_13 = arith.subi %sign3A_9, %sign3A_12 : i32
      %sign3A_14 = arith.constant 0 : i32
      %sign3A_15 = arith.cmpi sgt, %jit3A, %sign3A_14 : i32
      %sign3A_16 = arith.extui %sign3A_15 : i1 to i32
      %sign3A_17 = arith.constant 0 : i32
      %sign3A_18 = arith.cmpi slt, %jit3A, %sign3A_17 : i32
      %sign3A_19 = arith.extui %sign3A_18 : i1 to i32
      %sign3A_20 = arith.subi %sign3A_16, %sign3A_19 : i32
      %ne3A = arith.cmpi ne, %sign3A_13, %sign3A_20 : i32
      %rem3A = arith.remsi %squeeze3A, %jit3A : i32
      %ne3A_21 = arith.constant 0 : i32
      %ne3A_22 = arith.cmpi ne, %rem3A, %ne3A_21 : i32
      %and3A = arith.andi %ne3A, %ne3A_22 : i1
      %sub3A = arith.constant 1 : i32
      %sub3A_23 = arith.subi %div3A, %sub3A : i32
      %select_n3A = arith.select %and3A, %sub3A_23, %div3A : i32
      %mul3A_24 = arith.constant 128 : i32
      %mul3A_25 = arith.muli %select_n3A, %mul3A_24 : i32
      %multiple_of3A = tpu.assume_multiple %mul3A_25, 128 : i32
      %dma_start3A = arith.constant 0 : i32
      %dma_start3A_26 = arith.constant 0 : i32
      %dma_start3A_27 = arith.constant 0 : i32
      %dma_start3A_28 = tpu.memref_slice %arg8[%dma_start3A, %dma_start3A_26, %dma_start3A_27] : memref<8x32x128xf32, #tpu.memory_space<vmem>> -> memref<1x32x128xf32, #tpu.memory_space<vmem>>
      %dma_start3A_29 = tpu.memref_squeeze %dma_start3A_28 : memref<1x32x128xf32, #tpu.memory_space<vmem>> -> memref<32x128xf32, #tpu.memory_space<vmem>>
      %dma_start3A_30 = arith.constant 0 : i32
      %dma_start3A_31 = tpu.memref_slice %arg4[%dma_start3A_30, %multiple_of3A] : memref<32x1000000xf32, #tpu.memory_space<hbm>> -> memref<32x128xf32, #tpu.memory_space<hbm>>
      %dma_start3A_32 = arith.constant 0 : i32
      %dma_start3A_33 = arith.constant 0 : i32
      %dma_start3A_34 = tpu.memref_slice %arg8[%dma_start3A, %dma_start3A_32, %dma_start3A_33] : memref<8x32x128xf32, #tpu.memory_space<vmem>> -> memref<1x32x128xf32, #tpu.memory_space<vmem>>
      %dma_start3A_35 = tpu.memref_squeeze %dma_start3A_34 : memref<1x32x128xf32, #tpu.memory_space<vmem>> -> memref<32x128xf32, #tpu.memory_space<vmem>>
      %dma_start3A_36 = arith.constant 0 : i32
      %dma_start3A_37 = tpu.memref_slice %arg4[%dma_start3A_36, %multiple_of3A] : memref<32x1000000xf32, #tpu.memory_space<hbm>> -> memref<32x128xf32, #tpu.memory_space<hbm>>
      tpu.enqueue_dma source(%dma_start3A_37 : memref<32x128xf32, #tpu.memory_space<hbm>>) target(%dma_start3A_35 : memref<32x128xf32, #tpu.memory_space<vmem>>) target_semaphore(%arg10 : memref<!tpu.dma_semaphore, #tpu.memory_space<semaphore_mem>>)
      %dma_wait3A = arith.constant 0 : i32
      %dma_wait3A_38 = arith.constant 0 : i32
      %dma_wait3A_39 = arith.constant 0 : i32
      %dma_wait3A_40 = tpu.memref_slice %arg8[%dma_wait3A, %dma_wait3A_38, %dma_wait3A_39] : memref<8x32x128xf32, #tpu.memory_space<vmem>> -> memref<1x32x128xf32, #tpu.memory_space<vmem>>
      %dma_wait3A_41 = tpu.memref_squeeze %dma_wait3A_40 : memref<1x32x128xf32, #tpu.memory_space<vmem>> -> memref<32x128xf32, #tpu.memory_space<vmem>>
      %dma_wait3A_42 = arith.constant 0 : i32
      %dma_wait3A_43 = tpu.memref_slice %arg4[%dma_wait3A_42, %multiple_of3A] : memref<32x1000000xf32, #tpu.memory_space<hbm>> -> memref<32x128xf32, #tpu.memory_space<hbm>>
      %dma_wait3A_44 = arith.constant 0 : i32
      %dma_wait3A_45 = arith.constant 0 : i32
      %dma_wait3A_46 = tpu.memref_slice %arg8[%dma_wait3A, %dma_wait3A_44, %dma_wait3A_45] : memref<8x32x128xf32, #tpu.memory_space<vmem>> -> memref<1x32x128xf32, #tpu.memory_space<vmem>>
      %dma_wait3A_47 = tpu.memref_squeeze %dma_wait3A_46 : memref<1x32x128xf32, #tpu.memory_space<vmem>> -> memref<32x128xf32, #tpu.memory_space<vmem>>
      %dma_wait3A_48 = arith.constant 0 : i32
      %dma_wait3A_49 = tpu.memref_slice %arg4[%dma_wait3A_48, %multiple_of3A] : memref<32x1000000xf32, #tpu.memory_space<hbm>> -> memref<32x128xf32, #tpu.memory_space<hbm>>
      tpu.wait_dma2 semaphore(%arg10 : memref<!tpu.dma_semaphore, #tpu.memory_space<semaphore_mem>>) src(%dma_wait3A_49 : memref<32x128xf32, #tpu.memory_space<hbm>>) dst(%dma_wait3A_47 : memref<32x128xf32, #tpu.memory_space<vmem>>)
      %jit3A_50 = arith.constant 128 : i32
      %eq3A_51 = arith.constant 0 : i32
      %eq3A_52 = arith.cmpi eq, %jit3A_50, %eq3A_51 : i32
      %jit3A_53 = arith.constant 1 : i32
      %select_n3A_54 = arith.select %eq3A_52, %jit3A_53, %jit3A_50 : i32
      %rem3A_55 = arith.remsi %squeeze3A, %select_n3A_54 : i32
      %ne3A_56 = arith.constant 0 : i32
      %ne3A_57 = arith.cmpi ne, %rem3A_55, %ne3A_56 : i32
      %lt3A_58 = arith.constant 0 : i32
      %lt3A_59 = arith.cmpi slt, %rem3A_55, %lt3A_58 : i32
      %lt3A_60 = arith.constant 0 : i32
      %lt3A_61 = arith.cmpi slt, %select_n3A_54, %lt3A_60 : i32
      %ne3A_62 = arith.xori %lt3A_59, %lt3A_61 : i1
      %and3A_63 = arith.andi %ne3A_62, %ne3A_57 : i1
      %add3A_64 = arith.addi %rem3A_55, %select_n3A_54 : i32
      %select_n3A_65 = arith.select %and3A_63, %add3A_64, %rem3A_55 : i32
      %iota3A = tpu.iota {dimensions = array<i32: 0>} : vector<16xi32>
      %add3A_66 = arith.constant 0 : i32
      %add3A_67 = vector.broadcast %add3A_66 : i32 to vector<16xi32>
      %add3A_68 = arith.addi %iota3A, %add3A_67 : vector<16xi32>
      %broadcast_in_dim3A = arith.constant 0 : i32
      %broadcast_in_dim3A_69 = vector.broadcast %broadcast_in_dim3A : i32 to vector<16xi32>
      %add3A_70 = vector.broadcast %select_n3A_65 : i32 to vector<16xi32>
      %add3A_71 = arith.addi %broadcast_in_dim3A_69, %add3A_70 : vector<16xi32>
      %gather3A = arith.constant 0 : i32
      %gather3A_72 = arith.constant 0 : i32
      %gather3A_73 = arith.constant 0 : i32
      %gather3A_74 = tpu.memref_slice %arg8[%gather3A, %gather3A_72, %gather3A_73] : memref<8x32x128xf32, #tpu.memory_space<vmem>> -> memref<1x32x128xf32, #tpu.memory_space<vmem>>
      %gather3A_75 = tpu.memref_squeeze %gather3A_74 : memref<1x32x128xf32, #tpu.memory_space<vmem>> -> memref<32x128xf32, #tpu.memory_space<vmem>>
      %gather3A_76 = tpu.vector_load_idx %gather3A_75[%add3A_68, %add3A_71] : memref<32x128xf32, #tpu.memory_space<vmem>>[vector<16xi32>, vector<16xi32>], vector<16xf32>,
      %swap3A = arith.constant 0 : index
      %swap3A_77 = tpu.vector_load %arg9[%swap3A] {strides = array<i32>} : memref<256xf32, #tpu.memory_space<vmem>>, vector<16xf32>,
      tpu.vector_store %arg9[%swap3A], %gather3A_76 {strides = array<i32>} : memref<256xf32, #tpu.memory_space<vmem>>, vector<16xf32>,
      %iota3A_78 = tpu.iota {dimensions = array<i32: 0>} : vector<16xi32>
      %add3A_79 = arith.constant 16 : i32
      %add3A_80 = vector.broadcast %add3A_79 : i32 to vector<16xi32>
      %add3A_81 = arith.addi %iota3A_78, %add3A_80 : vector<16xi32>
      %broadcast_in_dim3A_82 = arith.constant 0 : i32
      %broadcast_in_dim3A_83 = vector.broadcast %broadcast_in_dim3A_82 : i32 to vector<16xi32>
      %add3A_84 = vector.broadcast %select_n3A_65 : i32 to vector<16xi32>
      %add3A_85 = arith.addi %broadcast_in_dim3A_83, %add3A_84 : vector<16xi32>
      %gather3A_86 = arith.constant 0 : i32
      %gather3A_87 = arith.constant 0 : i32
      %gather3A_88 = arith.constant 0 : i32
      %gather3A_89 = tpu.memref_slice %arg8[%gather3A_86, %gather3A_87, %gather3A_88] : memref<8x32x128xf32, #tpu.memory_space<vmem>> -> memref<1x32x128xf32, #tpu.memory_space<vmem>>
      %gather3A_90 = tpu.memref_squeeze %gather3A_89 : memref<1x32x128xf32, #tpu.memory_space<vmem>> -> memref<32x128xf32, #tpu.memory_space<vmem>>
      %gather3A_91 = tpu.vector_load_idx %gather3A_90[%add3A_81, %add3A_85] : memref<32x128xf32, #tpu.memory_space<vmem>>[vector<16xi32>, vector<16xi32>], vector<16xf32>,
      %swap3A_92 = arith.constant 16 : index
      %swap3A_93 = tpu.vector_load %arg9[%swap3A_92] {strides = array<i32>} : memref<256xf32, #tpu.memory_space<vmem>>, vector<16xf32>,
      tpu.vector_store %arg9[%swap3A_92], %gather3A_91 {strides = array<i32>} : memref<256xf32, #tpu.memory_space<vmem>>, vector<16xf32>,
      "tpu.region"() ({
        %run_scoped3A = tpu.sem_alloc : memref<!tpu.dma_semaphore, #tpu.memory_space<semaphore_mem>>
        %dma_start3A_94 = arith.constant 0 : i32
        %dma_start3A_95 = tpu.memref_slice %arg9[%dma_start3A_94] : memref<256xf32, #tpu.memory_space<vmem>> -> memref<32xf32, #tpu.memory_space<vmem>>
        %dma_start3A_96 = arith.constant 0 : i32
        %dma_start3A_97 = tpu.memref_slice %arg6[%dma_start3A_96] : memref<6432xf32, #tpu.memory_space<hbm>> -> memref<32xf32, #tpu.memory_space<hbm>>
        %dma_start3A_98 = arith.constant 0 : i32
        %dma_start3A_99 = tpu.memref_slice %arg6[%dma_start3A_98] : memref<6432xf32, #tpu.memory_space<hbm>> -> memref<32xf32, #tpu.memory_space<hbm>>
        %dma_start3A_100 = arith.constant 0 : i32
        %dma_start3A_101 = tpu.memref_slice %arg9[%dma_start3A_100] : memref<256xf32, #tpu.memory_space<vmem>> -> memref<32xf32, #tpu.memory_space<vmem>>
        tpu.enqueue_dma source(%dma_start3A_101 : memref<32xf32, #tpu.memory_space<vmem>>) target(%dma_start3A_99 : memref<32xf32, #tpu.memory_space<hbm>>) target_semaphore(%run_scoped3A : memref<!tpu.dma_semaphore, #tpu.memory_space<semaphore_mem>>)
        %dma_wait3A_102 = arith.constant 0 : i32
        %dma_wait3A_103 = tpu.memref_slice %arg9[%dma_wait3A_102] : memref<256xf32, #tpu.memory_space<vmem>> -> memref<32xf32, #tpu.memory_space<vmem>>
        %dma_wait3A_104 = arith.constant 0 : i32
        %dma_wait3A_105 = tpu.memref_slice %arg6[%dma_wait3A_104] : memref<6432xf32, #tpu.memory_space<hbm>> -> memref<32xf32, #tpu.memory_space<hbm>>
        %dma_wait3A_106 = arith.constant 0 : i32
        %dma_wait3A_107 = tpu.memref_slice %arg6[%dma_wait3A_106] : memref<6432xf32, #tpu.memory_space<hbm>> -> memref<32xf32, #tpu.memory_space<hbm>>
        %dma_wait3A_108 = arith.constant 0 : i32
        %dma_wait3A_109 = tpu.memref_slice %arg9[%dma_wait3A_108] : memref<256xf32, #tpu.memory_space<vmem>> -> memref<32xf32, #tpu.memory_space<vmem>>
        tpu.wait_dma2 semaphore(%run_scoped3A : memref<!tpu.dma_semaphore, #tpu.memory_space<semaphore_mem>>) src(%dma_wait3A_109 : memref<32xf32, #tpu.memory_space<vmem>>) dst(%dma_wait3A_107 : memref<32xf32, #tpu.memory_space<hbm>>)
        tpu.yield
      }) : () -> ()
    } else {
    }
    return
  }
}

</mosaic_0001>

<sc_bundles>
// kernel: kernel.3.cloned.1.call-start
scs
__scs_entry_jumppad:
0x0: {  	(pc) =	sbr.rel $0x88, $3  }
0x1: {  	(tag) =	ssettag $0x0;
	lr =	simm.s32 $0x1  }
0x2: {  	[smem:$0x3F9D] =	sst lr;
	_ =	strace $0xD0000000  }
0x3: {  	_ = 	snop  }
0x4: {  	_ = 	snop  }
0x5: {  	_ = 	snop  }
0x6: {  	_ = 	snop  }
0x7: {  	_ = 	snop  }
__scs_overlays_trampoline_lowered:
0x8: {  	[smem:$0x3FAC] =	sst s0  }
0x9: {  	[smem:$0x3FAD] =	sst s1  }
0xa: {  	[smem:$0x3FAE] =	sst s2  }
0xb: {  	[smem:$0x3FAF] =	sst s3  }
0xc: {  	[smem:$0x3FB0] =	sst s4  }
0xd: {  	[smem:$0x3FB1] =	sst s5  }
0xe: {  	[smem:$0x3FB2] =	sst s6  }
0xf: {  	[smem:$0x3FB3] =	sst s7  }
0x10: {  	[smem:$0x3FB4] =	sst s8  }
0x11: {  	[smem:$0x3FB5] =	sst s9;
	s0 =	simm.s32 @!p0 $0x0  }
0x12: {  	s1 =	sld [smem:$0x3F9B];
	s0 =	simm.s32 @p0 $0x1  }
0x13: {  	[smem:$0x3FB6] =	sst s0;
	s0 =	simm.s32 @!p1 $0x0  }
0x14: {  	s2 =	sld [smem:$0x3F9A];
	s0 =	simm.s32 @p1 $0x1  }
0x15: {  	[smem:$0x3FB7] =	sst s0;
	s0 =	simm.s32 @!p2 $0x0  }
0x16: {  	s3 =	sld [smem:$0x3FDB];
	s0 =	simm.s32 @p2 $0x1  }
0x17: {  	s4 =	simm.s32 $0x1BF5;
	[smem:$0x3FB9] =	sst s0  }
0x18: {  	s0 =	sld [smem:$0x3F9C];
	_ =	swait.ge [sflag:s4], $0x0  }
0x19: {  	s7 =	sld [smem:$0x3F9D]  }
0x1a: {  	s8 =	sadd.s32 $0xFFFFE003, lr  }
0x1b: {  	s9 =	sadd.s32 $0xFFFFFEF7, lr;
	s5 =	simm.s32 $0xFFFFFFFF;
	p2 =	slt.u32 s8, $0xFFFFF086  }
0x1c: {  	p1 =	slt.u32 s9, $0xF7A;
	s5 =	simm.s32 @!p2 $0x0  }
0x1d: {  	s5 =	simm.s32 @p1 $0x1;
	p0 =	seq.s32 s7, s2  }
0x1e: {  	s7 =	smul.u32 @!p0 $0xF7A, s2;
	p2 =	seq.s32 @!p0 s5, $0x0  }
0x1f: {  	s9 =	smul.u32 $0xF7A, s1;
	s8 =	simm.s32 @!p0 $0x1BF5;
	p2 =	por !p2, p0  }
0x20: {  	[sflag:s8] =	ssyncset.s32 @!p0 $0xFFFFF086;
	s6 =	sadd.s32 @!p0 s3, s7;
	s7 =	simm.s32 @!p0 $0x108  }
0x21: {  	s3 =	sadd.s32 s3, s9;
	s6 =	sadd.s32 @!p0 $0x88, s6;
	s7 =	simm.s32 @p2 $0x1082  }
0x22: {  	[simem:s7], [sflag:s8] =	dma.local @!p0 [hbm:s6], $0xF7A  }
0x23: {  	s9 =	sor.u32 $0xD0000000, s2;
	s6 =	simm.s32 $0x108;
	_ =	swait.ge @!p0 [sflag:s8], $0x0  }
0x24: {  	s3 =	sadd.s32 $0x88, s3;
	s6 =	simm.s32 @!p1 $0x1082;
	[sflag:s4] =	ssyncset.s32 $0xFFFFF086  }
0x25: {  	[simem:s6], [sflag:s4] =	dma.local [hbm:s3], $0xF7A  }
0x26: {  	[smem:$0x3F9D] =	sst s1;
	(tag) =	ssettag s2;
	_ =	strace s9  }
0x27: {  	s1 =	sld [smem:$0x3FAD]  }
0x28: {  	s2 =	sld [smem:$0x3FAE]  }
0x29: {  	s4 =	sld [smem:$0x3FB0]  }
0x2a: {  	p0 =	seq.s32 s5, $0x0;
	s5 =	sld [smem:$0x3FB1]  }
0x2b: {  	s6 =	sld [smem:$0x3FB2]  }
0x2c: {  	s7 =	sld [smem:$0x3FB3]  }
0x2d: {  	s3 =	simm.s32 $0x108;
	s8 =	sld [smem:$0x3FB4]  }
0x2e: {  	s3 =	simm.s32 @!p0 $0x1082;
	s9 =	sld [smem:$0x3FB5]  }
0x2f: {  	lr =	sadd.s32 s0, s3;
	s0 =	sld [smem:$0x3FAC]  }
0x30: {  	s3 =	sld [smem:$0x3FAF]  }
0x31: {  	[smem:$0x3FB8] =	sst s10  }
0x32: {  	s10 =	sld [smem:$0x3FB6];
	_ =	sdelay $0x3  }
0x33: {  	p0 =	seq.s32 s10, $0x1;
	s10 =	sld [smem:$0x3FB8];
	_ =	sdelay $0x3  }
0x34: {  	[smem:$0x3FB8] =	sst s10  }
0x35: {  	s10 =	sld [smem:$0x3FB7];
	_ =	sdelay $0x3  }
0x36: {  	p1 =	seq.s32 s10, $0x1;
	s10 =	sld [smem:$0x3FB8];
	_ =	sdelay $0x3  }
0x37: {  	[smem:$0x3FB8] =	sst s10  }
0x38: {  	s10 =	sld [smem:$0x3FB9]  }
0x39: {  	_ = 	snop;
	(pc) =	sbr.ind lr, $3  }
0x3a: {  	_ = 	snop  }
0x3b: {  	_ = 	snop  }
0x3c: {  	p2 =	seq.s32 s10, $0x1;
	s10 =	sld [smem:$0x3FB8]  }
0x3d: {  	_ =	shalt  }
0x3e: {  	_ =	shalt  }
0x3f: {  	_ =	shalt  }
0x40: {  	_ =	shalt  }
0x41: {  	_ =	shalt  }
0x42: {  	_ =	shalt  }
0x43: {  	_ =	shalt  }
0x44: {  	_ =	shalt  }
0x45: {  	_ =	shalt  }
0x46: {  	_ =	shalt  }
0x47: {  	_ =	shalt  }
0x48: {  	_ =	shalt  }
0x49: {  	_ =	shalt  }
0x4a: {  	_ =	shalt  }
0x4b: {  	_ =	shalt  }
0x4c: {  	_ =	shalt  }
0x4d: {  	_ =	shalt  }
0x4e: {  	_ =	shalt  }
0x4f: {  	_ =	shalt  }
0x50: {  	_ =	shalt  }
0x51: {  	_ =	shalt  }
0x52: {  	_ =	shalt  }
0x53: {  	_ =	shalt  }
0x54: {  	_ =	shalt  }
0x55: {  	_ =	shalt  }
0x56: {  	_ =	shalt  }
0x57: {  	_ =	shalt  }
0x58: {  	_ =	shalt  }
0x59: {  	_ =	shalt  }
0x5a: {  	_ =	shalt  }
0x5b: {  	_ =	shalt  }
0x5c: {  	_ =	shalt  }
0x5d: {  	_ =	shalt  }
0x5e: {  	_ =	shalt  }
0x5f: {  	_ =	shalt  }
0x60: {  	_ =	shalt  }
0x61: {  	_ =	shalt  }
0x62: {  	_ =	shalt  }
0x63: {  	_ =	shalt  }
0x64: {  	_ =	shalt  }
0x65: {  	_ =	shalt  }
0x66: {  	_ =	shalt  }
0x67: {  	_ =	shalt  }
0x68: {  	_ =	shalt  }
0x69: {  	_ =	shalt  }
0x6a: {  	_ =	shalt  }
0x6b: {  	_ =	shalt  }
0x6c: {  	_ =	shalt  }
0x6d: {  	_ =	shalt  }
0x6e: {  	_ =	shalt  }
0x6f: {  	_ =	shalt  }
0x70: {  	_ =	shalt  }
0x71: {  	_ =	shalt  }
0x72: {  	_ =	shalt  }
0x73: {  	_ =	shalt  }
0x74: {  	_ =	shalt  }
0x75: {  	_ =	shalt  }
0x76: {  	_ =	shalt  }
0x77: {  	_ =	shalt  }
0x78: {  	_ =	shalt  }
0x79: {  	_ =	shalt  }
0x7a: {  	_ =	shalt  }
0x7b: {  	_ =	shalt  }
0x7c: {  	_ =	shalt  }
0x7d: {  	_ =	shalt  }
0x7e: {  	_ =	shalt  }
0x7f: {  	_ =	shalt  }
0x80: {  	_ =	shalt  }
0x81: {  	_ =	shalt  }
0x82: {  	_ =	shalt  }
0x83: {  	_ =	shalt  }
0x84: {  	_ =	shalt  }
0x85: {  	_ =	shalt  }
0x86: {  	_ =	shalt  }
0x87: {  	_ =	shalt  }
.Lfunc_end0:
.L_simem_size_0:
called_computation_lowered:
.L_overlay_start_0:
0x88: {  	s2 =	sld [smem:$0x3FD9]  }
0x89: {  	s3 =	sld [smem:$0x3FFE];
	_ =	sdelay $0x1  }
0x8a: {  	s1 =	srdreg.scid  }
0x8b: {  	s0 =	sand.u32 $0x1, s1  }
0x8c: {  	s17 =	sshll.u32 s0, $0xA;
	s2 =	sadd.s32 s3, s2  }
0x8d: {  	s2 =	sadd.s32 s2, s17  }
0x8e: {  	[smem:$0x3FC4] =	sst s2  }
0x8f: {  	_ = 	snop  }
0x90: {  	s2 =	sld [smem:$0x3FC9]  }
0x91: {  	s18 =	sld [smem:$0x3FC8]  }
0x92: {  	s4 =	sld [smem:$0x3FC7]  }
0x93: {  	s5 =	sld [smem:$0x3FC6];
	(tm) =	ssettm $0x1  }
0x94: {  	s6 =	sld [smem:$0x3FFB];
	_ =	sdelay $0x3  }
0x95: {  	_ =	strace s6  }
0x96: {  	s6 =	sld [smem:$0x3FFC];
	_ =	sdelay $0x3  }
0x97: {  	_ =	strace s6  }
0x98: {  	s6 =	sld [smem:$0x3FFD];
	_ =	sdelay $0x3  }
0x99: {  	_ =	strace s6  }
0x9a: {  	_ =	strace $0x8FFFFFFF  }
0x9b: {  	s19 =	sld [smem:$0x3FDB];
	_ =	sdelay $0x1  }
0x9c: {  	s7 =	simm.s32 $_scs_section_size  }
0x9d: {  	s8 =	simm.s32 $_size__tile_overlayer_lowered;
	s9 =	simm.s32 $_tile_overlayer_lowered  }
0x9e: {  	s22 =	simm.s32 $0x1BFF;
	s21 =	sshll.u32 s9, $0x1;
	s6 =	sadd.s32 s7, s19  }
0x9f: {  	s10 =	simm.s32 $0x0;
	s20 =	sshll.u32 s8, $0x1;
	s8 =	sadd.s32 s21, s6  }
0xa0: {  	[timem:s10], [sflag:s22] =	dma.local [hbm:s8], s20  }
0xa1: {  	_ =	swait.ge [sflag:s22], s20  }
0xa2: {  	s7 =	ssub.s32 $0x0, s20;
	[sflag:s22] =	ssyncset.done $0x0  }
0xa3: {  	[sflag:s22] =	ssyncadd.s32 s7;
	_ =	sdelay $0x1  }
0xa4: {  	s23 =	simm.s32 $0x1B8B  }
0xa5: {  	_ =	swait.ge [sflag:s23], $0x1  }
0xa6: {  	[sflag:s23] =	ssyncset.done $0x0  }
0xa7: {  	s25 =	simm.s32 $0x1B8E;
	s24 =	sld [smem:$0x3FFE];
	[sflag:s23] =	ssyncadd.s32 $0xFFFFFFFF  }
0xa8: {  	s26 =	simm.s32 $execute0_lowered;
	[smem:$0x3FD2] =	sst s25  }
0xa9: {  	s8 =	sshll.u32 s26, $0x1;
	_ =	strace $0x80000046;
	[dreg:$0x1] =	wrdreg $0xFFFFFFFF  }
0xaa: {  	s28 =	simm.s32 $_size_execute0_lowered;
	s6 =	sadd.s32 s6, s8;
	[dreg:$0x0] =	wrdreg $0x0  }
0xab: {  	s8 =	sshll.u32 s28, $0x1;
	[dreg:$0x2] =	wrdreg s6  }
0xac: {  	[dreg:$0x3] =	wrdreg s8  }
0xad: {  	[dreg:$0x4] =	wrdreg $0xC0  }
0xae: {  	_ =	task [dreg:s10], $0x5FFFF  }
0xaf: {  	[dreg:$0x1] =	wrdreg $0xFFFFFFFF  }
0xb0: {  	[dreg:$0x0] =	wrdreg $0x60  }
0xb1: {  	[dreg:$0x2] =	wrdreg s2  }
0xb2: {  	[dreg:$0x3] =	wrdreg s18  }
0xb3: {  	[dreg:$0x4] =	wrdreg s4  }
0xb4: {  	[dreg:$0x5] =	wrdreg s5  }
0xb5: {  	[dreg:$0x6] =	wrdreg s24  }
0xb6: {  	[dreg:$0x7] =	wrdreg $0x9  }
0xb7: {  	_ =	task.clear_ibuf [dreg:s10], $0x8FFFF;
	_ =	strace $0x90000046  }
0xb8: {  	s29 =	simm.s32 $0x9;
	_ =	strace $0x80000048  }
0xb9: {  	_ =	swait.ge [sflag:s29], $0x1  }
0xba: {  	[sflag:s29] =	ssyncadd.s32 $0xFFFFFFFF  }
0xbb: {  	_ =	strace $0x90000048  }
0xbc: {  	_ =	sfence  }
0xbd: {  	s30 =	sld [smem:$0x0];
	_ =	sdelay $0x2  }
0xbe: {  	s31 =	sshll.u32 s1, $0xD;
	s1 =	sshrl.u32 s1, $0x2  }
0xbf: {  	s3 =	sand.u32 $0x4000, s31;
	s1 =	sadd.s32 s1, s30  }
0xc0: {  	s0 =	sor.u32 s3, s0;
	s1 =	sshll.u32 s1, $0x11  }
0xc1: {  	s0 =	sor.u32 s1, s0  }
0xc2: {  	s0 =	sadd.s32 $0x8F2B, s0  }
0xc3: {  	[sflag:s0] =	ssyncadd.remote.s32 $0x1  }
0xc4: {  	_ =	sfence.sel $0xFFFF  }
0xc5: {  	[dreg:$0x0] =	wrdreg $0xFFFFFFFF;
	(pc) =	sbr.abs _section_cstart, $3  }
0xc6: {  	[dreg:$0x1] =	wrdreg $0xFFFFFFFF  }
0xc7: {  	_ =	task.clear_ibuf [dreg:s10], $0x2FFFF;
	_ =	strace $0x9FFFFFFF  }
0xc8: {  	(tm) =	ssettm $0x7FFFFFFF  }
0xc9: {  	_ =	shalt  }
tec
execute0_lowered:
.L_overlay_start_1:
0x0: {  	(tag) =	ssettag $0x1  }
0x1: {  	s1 =	rddreg [dreg:$0x0]  }
0x2: {  	s7 =	rddreg [dreg:$0x1]  }
0x3: {  	s2 =	rddreg [dreg:$0x2]  }
0x4: {  	s4 =	rddreg [dreg:$0x3]  }
0x5: {  	s6 =	rddreg [dreg:$0x4]  }
0x6: {  	s8 =	srdreg.scid;
	s0 =	stileid.u32;
	s5 =	simm.s32 $0x0  }
0x7: {  	s11 =	simm.s32 $0x1;
	s12 =	simm.s32 $0x400;
	s13 =	simm.s32 $0x7A1400  }
0x8: {  	s14 =	simm.s32 $0x80;
	s15 =	simm.s32 $0x1080;
	s16 =	simm.s32 $0x2080  }
0x9: {  	s17 =	simm.s32 $0x3080;
	s18 =	simm.s32 $0x4080;
	s19 =	simm.s32 $0x5080  }
0xa: {  	s20 =	simm.s32 $0x6080;
	s21 =	simm.s32 $0x7080;
	s22 =	simm.s32 $0x8080  }
0xb: {  	s8 =	sand.u32 $0x1, s8;
	s9 =	sshll.u32 s0, $0x1;
	[smem:$0x7FF] =	sst s5  }
.Ltmp0:
0xc: {  	s6 =	sadd.s32 $0x400, s6;
	s10 =	ssub.s32 $0x2, s8;
	(pc) =	sbr.rel .LBB2_1-.Ltmp0, $4  }
0xd: {  	v0 =	vlaneseq.u32;
	s23 =	sor.u32 s8, s9;
	_ =	strace $0x80000047;
	s30 =	sshrl.u32 s10, $0x1  }
0xe: {  	v0 =	vmul.u32 $0x80, v0;
	s9 =	sshll.u32 s23, $0x5;
	s7 =	sadd.s32 s7, s23;
	p0 =	sgt.u32 s23, $0x18  }
0xf: {  	p1 =	sne.s32 s23, $0x19;
	s10 =	ssub.s32 s10, s30;
	s31 =	sadd.s32 s9, s6  }
0x10: {  	v1 =	vor.u32 $0x800, v0;
	s8 =	sadd.s32 $0x4, s31;
	s9 =	smax.u32 s10, $0x1;
	s10 =	simm.s32 $0x2  }
.LBB2_3:
0x11: {  	s0 =	simm.s32 @!p1 $0x0;
	s3 =	simm.s32 @!p1 $0x2  }
0x12: {  	[tilespmem:s0], [sflag:$0x2] =	stream.linear.gather @!p1 [hbm4b:s1+s0], $0x1, $0x38;
	[tilespmem:$0x8180] =	vst v63  }
0x13: {  	_ =	swait.ge @!p1 [sflag:s3], $0x1  }
0x14: {  	[sflag:s3] =	ssyncset.done @!p1 $0x0  }
0x15: {  	[sflag:s3] =	ssyncadd.s32 @!p1 $0xFFFFFFFF  }
0x16: {  	v2 =	vld @!p1 [tilespmem:$0x0];
	_ =	sdelay $0x4  }
0x17: {  	(v2sf) =	vpush @!p1 v2, $0x0;
	_ =	sdelay $0xe  }
0x18: {  	s23 =	spop @!p1 (v2sf)  }
0x19: {  	s24 =	sshra.s32 @!p1 s23, $0x1F  }
0x1a: {  	s24 =	sshrl.u32 @!p1 s24, $0x19  }
0x1b: {  	s24 =	sadd.s32 @!p1 s24, s23  }
0x1c: {  	s25 =	sand.u32 @!p1 $0xFFFFFF80, s24  }
0x1d: {  	p2 =	slt.s32 @!p1 s23, $0x1;
	p3 =	sne.s32 @!p1 s23, s25  }
0x1e: {  	p2 =	por @!p1 !p2, !p3  }
0x1f: {  	p2 =	por @!p1 !p2, !p2  }
0x20: {  	s25 =	simm.s32 @!p1 $0x1;
	p2 =	por !p2, p1  }
0x21: {  	s24 =	sshrl.u32 @!p1 s24, $0x7;
	s25 =	simm.s32 @p2 $0x0  }
0x22: {  	v2 =	vlaneseq.u32 @!p1;
	s24 =	ssub.s32 @!p1 s24, s25  }
0x23: {  	s28 =	simm.s32 @!p1 $0x7A1400;
	v2 =	vmul.u32 @!p1 $0x80, v2;
	s24 =	sshll.u32 @!p1 s24, $0x7  }
0x24: {  	s26 =	simm.s32 @!p1 $0x400;
	s23 =	sand.u32 @!p1 $0x7F, s23;
	s24 =	sand.u32 @!p1 $0x1FFFFF80, s24  }
0x25: {  	s29 =	simm.s32 @!p1 $0x80;
	v3 =	vor.u32 @!p1 s23, v2;
	s25 =	simm.s32 @!p1 $0x1;
	s24 =	sadd.s32 @!p1 s2, s24  }
0x26: {  	[tilespmem:s29], [sflag:$0x1] =	stream.strided.gather @!p1 [hbm4b:s24+s26], $0x1000, s28, s26, $0x38;
	[tilespmem:$0x8180] =	vst v63  }
0x27: {  	_ =	swait.ge @!p1 [sflag:s25], $0x1000  }
0x28: {  	[sflag:s25] =	ssyncset.done @!p1 $0x0  }
0x29: {  	[sflag:s25] =	ssyncadd.s32 @!p1 $0xFFFFF000  }
0x2a: {  	v2 =	vor.u32 @!p1 $0x800, v2;
	v3 =	vld.idx.msk @!p1 [tilespmem:v3+s29+$0x0], $0xffff  }
0x2b: {  	v2 =	vor.u32 @!p1 s23, v2;
	_ =	sdelay $0x3  }
0x2c: {  	[tilespmem:$0x8080] =	vst @!p1 v3  }
0x2d: {  	v2 =	vld.idx.msk @!p1 [tilespmem:v2+s29+$0x0], $0xffff;
	_ =	sdelay $0x4  }
0x2e: {  	s23 =	simm.s32 @!p1 $0x8080;
	[tilespmem:$0x8090] =	vst @!p1 v2  }
0x2f: {  	[hbm4b:s6+s0] =	stream.linear.scatter @!p1 [tilespmem:s23], [sflag:$0x2], $0x20, $0x38;
	[tilespmem:$0x8180] =	vst v63  }
0x30: {  	_ =	swait.ge @!p1 [sflag:s3], $0x20  }
0x31: {  	[sflag:s3] =	ssyncset.done @!p1 $0x0  }
0x32: {  	[sflag:s3] =	ssyncadd.s32 @!p1 $0xFFFFFFE0  }
.LBB2_4:
0x33: {  	s9 =	sadd.s32 $0xFFFFFFFF, s9  }
0x34: {  	p2 =	sne.s32 s9, $0x0  }
.Ltmp1:
0x35: {  	_ = 	snop;
	(pc) =	sbr.rel @!p2 .LBB2_5-.Ltmp1, $1  }
0x36: {  	_ =	sdelay $0x3  }
.LBB2_1:
.Ltmp2:
0x37: {  	(pc) =	sbr.rel @p0 .LBB2_3-.Ltmp2, $1  }
0x38: {  	_ =	sdelay $0x3  }
0x39: {  	[tilespmem:s5], [sflag:$0x2] =	stream.linear.gather [hbm4b:s7+s5], $0x8, $0x38;
	[tilespmem:$0x8180] =	vst v63  }
0x3a: {  	_ =	swait.ge [sflag:s10], $0x8  }
0x3b: {  	[sflag:s10] =	ssyncset.done $0x0  }
0x3c: {  	[sflag:s10] =	ssyncadd.s32 $0xFFFFFFF8  }
0x3d: {  	v2 =	vld [tilespmem:$0x0];
	_ =	sdelay $0x4  }
0x3e: {  	(v2sf) =	vpush v2, $0x0;
	_ =	sdelay $0xd  }
0x3f: {  	(v2sf) =	vpush v2, $0x1  }
0x40: {  	s23 =	spop (v2sf)  }
0x41: {  	s24 =	sshra.s32 s23, $0x1F  }
0x42: {  	s24 =	sshrl.u32 s24, $0x19  }
0x43: {  	s24 =	sadd.s32 s24, s23  }
0x44: {  	s25 =	sand.u32 $0xFFFFFF80, s24  }
0x45: {  	p2 =	slt.s32 s23, $0x1;
	p3 =	sne.s32 s23, s25  }
0x46: {  	p2 =	por !p2, !p3  }
0x47: {  	s25 =	simm.s32 $0x1;
	p2 =	por !p2, !p2  }
0x48: {  	s24 =	sshrl.u32 s24, $0x7;
	s25 =	simm.s32 @!p2 $0x0  }
0x49: {  	s24 =	ssub.s32 s24, s25  }
0x4a: {  	s24 =	sshll.u32 s24, $0x7  }
0x4b: {  	s24 =	sand.u32 $0x1FFFFF80, s24  }
0x4c: {  	s24 =	sadd.s32 s4, s24  }
0x4d: {  	(v2sf) =	vpush v2, $0x2;
	[tilespmem:s14], [sflag:$0x1] =	stream.strided.gather [hbm4b:s24+s12], $0x1000, s13, s12, $0x38;
	[tilespmem:$0x8180] =	vst v63  }
0x4e: {  	s24 =	spop (v2sf)  }
0x4f: {  	s26 =	sshra.s32 s24, $0x1F  }
0x50: {  	s25 =	sshrl.u32 s26, $0x19  }
0x51: {  	s25 =	sadd.s32 s25, s24  }
0x52: {  	s26 =	sand.u32 $0xFFFFFF80, s25  }
0x53: {  	p5 =	slt.s32 s24, $0x1;
	p6 =	sne.s32 s24, s26  }
0x54: {  	p2 =	por !p5, !p6  }
0x55: {  	s26 =	simm.s32 $0x1;
	p2 =	por !p2, !p2  }
0x56: {  	s25 =	sshrl.u32 s25, $0x7;
	s26 =	simm.s32 @!p2 $0x0  }
0x57: {  	s25 =	ssub.s32 s25, s26  }
0x58: {  	s25 =	sshll.u32 s25, $0x7  }
0x59: {  	s25 =	sand.u32 $0x1FFFFF80, s25  }
0x5a: {  	s25 =	sadd.s32 s4, s25  }
0x5b: {  	(v2sf) =	vpush v2, $0x3;
	[tilespmem:s15], [sflag:$0x1] =	stream.strided.gather [hbm4b:s25+s12], $0x1000, s13, s12, $0x38;
	[tilespmem:$0x8180] =	vst v63  }
0x5c: {  	s25 =	spop (v2sf)  }
0x5d: {  	s28 =	sshra.s32 s25, $0x1F  }
0x5e: {  	s26 =	sshrl.u32 s28, $0x19  }
0x5f: {  	s26 =	sadd.s32 s26, s25  }
0x60: {  	s28 =	sand.u32 $0xFFFFFF80, s26  }
0x61: {  	p3 =	slt.s32 s25, $0x1;
	p4 =	sne.s32 s25, s28  }
0x62: {  	p2 =	por !p3, !p4  }
0x63: {  	s28 =	simm.s32 $0x1;
	p2 =	por !p2, !p2  }
0x64: {  	s26 =	sshrl.u32 s26, $0x7;
	s28 =	simm.s32 @!p2 $0x0  }
0x65: {  	s26 =	ssub.s32 s26, s28  }
0x66: {  	s26 =	sshll.u32 s26, $0x7  }
0x67: {  	s26 =	sand.u32 $0x1FFFFF80, s26  }
0x68: {  	s26 =	sadd.s32 s4, s26  }
0x69: {  	(v2sf) =	vpush v2, $0x4;
	[tilespmem:s16], [sflag:$0x1] =	stream.strided.gather [hbm4b:s26+s12], $0x1000, s13, s12, $0x38;
	[tilespmem:$0x8180] =	vst v63  }
0x6a: {  	s26 =	spop (v2sf)  }
0x6b: {  	s29 =	sshra.s32 s26, $0x1F  }
0x6c: {  	s28 =	sshrl.u32 s29, $0x19  }
0x6d: {  	s28 =	sadd.s32 s28, s26  }
0x6e: {  	s29 =	sand.u32 $0xFFFFFF80, s28  }
0x6f: {  	p5 =	slt.s32 s26, $0x1;
	p6 =	sne.s32 s26, s29  }
0x70: {  	p2 =	por !p5, !p6  }
0x71: {  	s29 =	simm.s32 $0x1;
	p2 =	por !p2, !p2  }
0x72: {  	s28 =	sshrl.u32 s28, $0x7;
	s29 =	simm.s32 @!p2 $0x0  }
0x73: {  	s28 =	ssub.s32 s28, s29  }
0x74: {  	(v2sf) =	vpush v2, $0x5;
	s28 =	sshll.u32 s28, $0x7  }
0x75: {  	s28 =	sand.u32 $0x1FFFFF80, s28  }
0x76: {  	s28 =	sadd.s32 s4, s28  }
0x77: {  	[tilespmem:s17], [sflag:$0x1] =	stream.strided.gather [hbm4b:s28+s12], $0x1000, s13, s12, $0x38;
	[tilespmem:$0x8180] =	vst v63  }
0x78: {  	s28 =	spop (v2sf)  }
0x79: {  	s30 =	sshra.s32 s28, $0x1F  }
0x7a: {  	s29 =	sshrl.u32 s30, $0x19  }
0x7b: {  	s29 =	sadd.s32 s29, s28  }
0x7c: {  	s30 =	sand.u32 $0xFFFFFF80, s29  }
0x7d: {  	p3 =	slt.s32 s28, $0x1;
	p4 =	sne.s32 s28, s30  }
0x7e: {  	p2 =	por !p3, !p4  }
0x7f: {  	s30 =	simm.s32 $0x1;
	p2 =	por !p2, !p2  }
0x80: {  	s29 =	sshrl.u32 s29, $0x7;
	s30 =	simm.s32 @!p2 $0x0  }
0x81: {  	(v2sf) =	vpush v2, $0x6;
	s29 =	ssub.s32 s29, s30  }
0x82: {  	s29 =	sshll.u32 s29, $0x7  }
0x83: {  	s31 =	sand.u32 $0x1FFFFF80, s29;
	s29 =	spop (v2sf)  }
0x84: {  	s30 =	sadd.s32 s4, s31;
	s0 =	sshra.s32 s29, $0x1F  }
0x85: {  	[tilespmem:s18], [sflag:$0x1] =	stream.strided.gather [hbm4b:s30+s12], $0x1000, s13, s12, $0x38;
	[tilespmem:$0x8180] =	vst v63  }
0x86: {  	s30 =	sshrl.u32 s0, $0x19  }
0x87: {  	s30 =	sadd.s32 s30, s29  }
0x88: {  	s31 =	sand.u32 $0xFFFFFF80, s30  }
0x89: {  	p5 =	slt.s32 s29, $0x1;
	p6 =	sne.s32 s29, s31  }
0x8a: {  	p2 =	por !p5, !p6  }
0x8b: {  	s31 =	simm.s32 $0x1;
	p2 =	por !p2, !p2  }
0x8c: {  	s30 =	sshrl.u32 s30, $0x7;
	s31 =	simm.s32 @!p2 $0x0  }
0x8d: {  	s30 =	ssub.s32 s30, s31  }
0x8e: {  	s30 =	sshll.u32 s30, $0x7  }
0x8f: {  	s30 =	sand.u32 $0x1FFFFF80, s30  }
0x90: {  	s3 =	sadd.s32 s4, s30;
	s30 =	spop (v2sf);
	(v2sf) =	vpush v2, $0x7  }
0x91: {  	[tilespmem:s19], [sflag:$0x1] =	stream.strided.gather [hbm4b:s3+s12], $0x1000, s13, s12, $0x38;
	[tilespmem:$0x8180] =	vst v63  }
0x92: {  	s0 =	sshra.s32 s30, $0x1F  }
0x93: {  	s31 =	sshrl.u32 s0, $0x19  }
0x94: {  	s31 =	sadd.s32 s31, s30  }
0x95: {  	s0 =	sand.u32 $0xFFFFFF80, s31  }
0x96: {  	p3 =	slt.s32 s30, $0x1;
	p4 =	sne.s32 s30, s0  }
0x97: {  	p2 =	por !p3, !p4  }
0x98: {  	s0 =	simm.s32 $0x1;
	p2 =	por !p2, !p2  }
0x99: {  	s31 =	sshrl.u32 s31, $0x7;
	s0 =	simm.s32 @!p2 $0x0  }
0x9a: {  	s0 =	ssub.s32 s31, s0  }
0x9b: {  	s0 =	sshll.u32 s0, $0x7  }
0x9c: {  	s0 =	sand.u32 $0x1FFFFF80, s0  }
0x9d: {  	s0 =	sadd.s32 s4, s0  }
0x9e: {  	[tilespmem:s20], [sflag:$0x1] =	stream.strided.gather [hbm4b:s0+s12], $0x1000, s13, s12, $0x38;
	[tilespmem:$0x8180] =	vst v63  }
0x9f: {  	s31 =	spop (v2sf)  }
0xa0: {  	s3 =	sshra.s32 s31, $0x1F  }
0xa1: {  	s0 =	sshrl.u32 s3, $0x19  }
0xa2: {  	s0 =	sadd.s32 s0, s31  }
0xa3: {  	s3 =	sand.u32 $0xFFFFFF80, s0  }
0xa4: {  	p5 =	slt.s32 s31, $0x1;
	p6 =	sne.s32 s31, s3  }
0xa5: {  	p2 =	por !p5, !p6  }
0xa6: {  	s3 =	simm.s32 $0x1;
	p2 =	por !p2, !p2  }
0xa7: {  	s0 =	sshrl.u32 s0, $0x7;
	s3 =	simm.s32 @!p2 $0x0  }
0xa8: {  	s0 =	ssub.s32 s0, s3  }
0xa9: {  	s0 =	sshll.u32 s0, $0x7  }
0xaa: {  	s0 =	sand.u32 $0x1FFFFF80, s0  }
0xab: {  	s0 =	sadd.s32 s4, s0  }
0xac: {  	[tilespmem:s21], [sflag:$0x1] =	stream.strided.gather [hbm4b:s0+s12], $0x1000, s13, s12, $0x38;
	[tilespmem:$0x8180] =	vst v63  }
0xad: {  	_ =	swait.ge [sflag:s11], $0x1000  }
0xae: {  	[sflag:s11] =	ssyncset.done $0x0  }
0xaf: {  	[sflag:s11] =	ssyncadd.s32 $0xFFFFF000  }
0xb0: {  	_ =	swait.ge [sflag:s11], $0x1000  }
0xb1: {  	[sflag:s11] =	ssyncset.done $0x0  }
0xb2: {  	[sflag:s11] =	ssyncadd.s32 $0xFFFFF000  }
0xb3: {  	_ =	swait.ge [sflag:s11], $0x1000  }
0xb4: {  	[sflag:s11] =	ssyncset.done $0x0  }
0xb5: {  	[sflag:s11] =	ssyncadd.s32 $0xFFFFF000  }
0xb6: {  	_ =	swait.ge [sflag:s11], $0x1000  }
0xb7: {  	[sflag:s11] =	ssyncset.done $0x0  }
0xb8: {  	[sflag:s11] =	ssyncadd.s32 $0xFFFFF000  }
0xb9: {  	_ =	swait.ge [sflag:s11], $0x1000  }
0xba: {  	[sflag:s11] =	ssyncset.done $0x0  }
0xbb: {  	[sflag:s11] =	ssyncadd.s32 $0xFFFFF000  }
0xbc: {  	_ =	swait.ge [sflag:s11], $0x1000  }
0xbd: {  	[sflag:s11] =	ssyncset.done $0x0  }
0xbe: {  	[sflag:s11] =	ssyncadd.s32 $0xFFFFF000  }
0xbf: {  	s23 =	sand.u32 $0x7F, s23;
	_ =	swait.ge [sflag:s11], $0x1000  }
0xc0: {  	v2 =	vor.u32 s23, v0;
	[sflag:s11] =	ssyncset.done $0x0  }
0xc1: {  	[sflag:s11] =	ssyncadd.s32 $0xFFFFF000  }
0xc2: {  	_ =	swait.ge [sflag:s11], $0x1000  }
0xc3: {  	[sflag:s11] =	ssyncset.done $0x0  }
0xc4: {  	[sflag:s11] =	ssyncadd.s32 $0xFFFFF000  }
0xc5: {  	v2 =	vld.idx.msk [tilespmem:v2+s14+$0x0], $0xffff  }
0xc6: {  	v3 =	vor.u32 s23, v1;
	_ =	sdelay $0x3  }
0xc7: {  	[tilespmem:$0x8080] =	vst v2  }
0xc8: {  	s24 =	sand.u32 $0x7F, s24;
	v2 =	vld.idx.msk [tilespmem:v3+s14+$0x0], $0xffff  }
0xc9: {  	v3 =	vor.u32 s24, v0;
	_ =	sdelay $0x3  }
0xca: {  	[tilespmem:$0x8090] =	vst v2  }
0xcb: {  	v2 =	vld.idx.msk [tilespmem:v3+s15+$0x0], $0xffff  }
0xcc: {  	v3 =	vor.u32 s24, v1;
	_ =	sdelay $0x3  }
0xcd: {  	[tilespmem:$0x80A0] =	vst v2  }
0xce: {  	s25 =	sand.u32 $0x7F, s25;
	v2 =	vld.idx.msk [tilespmem:v3+s15+$0x0], $0xffff  }
0xcf: {  	v3 =	vor.u32 s25, v0;
	_ =	sdelay $0x3  }
0xd0: {  	[tilespmem:$0x80B0] =	vst v2  }
0xd1: {  	v2 =	vld.idx.msk [tilespmem:v3+s16+$0x0], $0xffff  }
0xd2: {  	v3 =	vor.u32 s25, v1;
	_ =	sdelay $0x3  }
0xd3: {  	[tilespmem:$0x80C0] =	vst v2  }
0xd4: {  	s26 =	sand.u32 $0x7F, s26;
	v2 =	vld.idx.msk [tilespmem:v3+s16+$0x0], $0xffff  }
0xd5: {  	v3 =	vor.u32 s26, v0;
	_ =	sdelay $0x3  }
0xd6: {  	[tilespmem:$0x80D0] =	vst v2  }
0xd7: {  	v2 =	vld.idx.msk [tilespmem:v3+s17+$0x0], $0xffff  }
0xd8: {  	v3 =	vor.u32 s26, v1;
	_ =	sdelay $0x3  }
0xd9: {  	[tilespmem:$0x80E0] =	vst v2  }
0xda: {  	s28 =	sand.u32 $0x7F, s28;
	v2 =	vld.idx.msk [tilespmem:v3+s17+$0x0], $0xffff  }
0xdb: {  	v3 =	vor.u32 s28, v0;
	_ =	sdelay $0x3  }
0xdc: {  	[tilespmem:$0x80F0] =	vst v2  }
0xdd: {  	v2 =	vld.idx.msk [tilespmem:v3+s18+$0x0], $0xffff  }
0xde: {  	v3 =	vor.u32 s28, v1;
	_ =	sdelay $0x3  }
0xdf: {  	[tilespmem:$0x8100] =	vst v2  }
0xe0: {  	s29 =	sand.u32 $0x7F, s29;
	v2 =	vld.idx.msk [tilespmem:v3+s18+$0x0], $0xffff  }
0xe1: {  	v3 =	vor.u32 s29, v0;
	_ =	sdelay $0x3  }
0xe2: {  	[tilespmem:$0x8110] =	vst v2  }
0xe3: {  	v2 =	vld.idx.msk [tilespmem:v3+s19+$0x0], $0xffff  }
0xe4: {  	v3 =	vor.u32 s29, v1;
	_ =	sdelay $0x3  }
0xe5: {  	[tilespmem:$0x8120] =	vst v2  }
0xe6: {  	s30 =	sand.u32 $0x7F, s30;
	v2 =	vld.idx.msk [tilespmem:v3+s19+$0x0], $0xffff  }
0xe7: {  	v3 =	vor.u32 s30, v0;
	_ =	sdelay $0x3  }
0xe8: {  	[tilespmem:$0x8130] =	vst v2  }
0xe9: {  	v2 =	vld.idx.msk [tilespmem:v3+s20+$0x0], $0xffff  }
0xea: {  	v3 =	vor.u32 s30, v1;
	_ =	sdelay $0x3  }
0xeb: {  	[tilespmem:$0x8140] =	vst v2  }
0xec: {  	s31 =	sand.u32 $0x7F, s31;
	v2 =	vld.idx.msk [tilespmem:v3+s20+$0x0], $0xffff  }
0xed: {  	v3 =	vor.u32 s31, v0;
	_ =	sdelay $0x3  }
0xee: {  	[tilespmem:$0x8150] =	vst v2  }
0xef: {  	v2 =	vld.idx.msk [tilespmem:v3+s21+$0x0], $0xffff  }
0xf0: {  	v3 =	vor.u32 s31, v1;
	_ =	sdelay $0x3  }
0xf1: {  	[tilespmem:$0x8160] =	vst v2  }
0xf2: {  	v2 =	vld.idx.msk [tilespmem:v3+s21+$0x0], $0xffff;
	_ =	sdelay $0x4  }
.Ltmp3:
0xf3: {  	[tilespmem:$0x8170] =	vst v2;
	(pc) =	sbr.rel .LBB2_4-.Ltmp3, $4  }
0xf4: {  	[hbm4b:s8+s5] =	stream.linear.scatter [tilespmem:s22], [sflag:$0x2], $0x100, $0x38;
	[tilespmem:$0x8180] =	vst v63  }
0xf5: {  	_ =	swait.ge [sflag:s10], $0x100  }
0xf6: {  	[sflag:s10] =	ssyncset.done $0x0  }
0xf7: {  	[sflag:s10] =	ssyncadd.s32 $0xFFFFFF00  }
.LBB2_5:
0xf8: {  	_ =	sfence.sel $0x180000  }
0xf9: {  	[bflag:$0x0] =	sbarrier.arrive $0xFFFF  }
0xfa: {  	_ =	strace $0x90000047  }
0xfb: {  	s0 =	stileid.u32;
	[bflag:$0x2] =	sbarrier.arrive $0xFFFF  }
0xfc: {  	p0 =	sne.s32 s0, $0x0;
	s0 =	rddreg [dreg:$0x5]  }
0xfd: {  	s0 =	sadd.s32 @!p0 $0x100000, s0  }
0xfe: {  	[sflag:s0] =	ssyncadd.tile.s32 @!p0 $0x1;
	_ =	shalt  }
.Lfunc_end2:
_tile_overlayer_lowered:
.L_overlay_start_2:
0xff: {  	(tag) =	ssettag $0x2  }
0x100: {  	s0 =	rddreg [dreg:$0x0];
	s2 =	stileid.u32  }
0x101: {  	s1 =	rddreg [dreg:$0x1];
	p0 =	sne.s32 s2, $0x0  }
0x102: {  	s3 =	rddreg [dreg:$0x2];
	[bflag:$0x3] =	sbarrier.arrive $0xFFFF;
	s2 =	simm.s32 @!p0 $0x1C02  }
0x103: {  	[timem:s3], [sflag:s2] =	dma.local @!p0 [hbm:s0], s1  }
0x104: {  	s0 =	simm.s32 @!p0 $0x2  }
0x105: {  	_ =	swait.ge @!p0 [sflag:s0], s1  }
0x106: {  	s1 =	ssub.s32 @!p0 $0x0, s1;
	[sflag:s0] =	ssyncset.done @!p0 $0x0  }
0x107: {  	[sflag:s0] =	ssyncadd.s32 @!p0 s1  }
0x108: {  	[bflag:$0x3] =	sbarrier.arrive $0xFFFF  }
0x109: {  	_ =	shalt  }

</sc_bundles>
